<compile_context>
chip_gen: v7x
topology: tpu7x:2x2x1
jax: 0.10.2.dev20260603
libtpu: 0.0.44.dev20260713+nightly
codegen_flags: <defaults>
</compile_context>

<pallas_src>
import functools
import jax
import jax.numpy as jnp
from jax import lax
from jax.experimental import pallas as pl
from jax.experimental.pallas import tpu as pltpu
from jax.experimental.pallas import tpu_sc as plsc

_NSLOT = 3
_L = 16


def _patt_body(s_ref, out_ref):
    b = pl.program_id(0)
    H, W = out_ref.shape[-2:]
    top = s_ref[1, b]
    bot = s_ref[2, b]
    left = s_ref[3, b]
    right = s_ref[4, b]
    rows = jax.lax.broadcasted_iota(jnp.int32, (1, H, W), 1)
    cols = jax.lax.broadcasted_iota(jnp.int32, (1, H, W), 2)
    in_rect = (rows >= top) & (rows < bot) & (cols >= left) & (cols < right)
    out_ref[...] = jnp.where(in_rect, 0.0, 1.0)


def _img_body(s_ref, img_hbm, img_out_hbm, vbuf, sem_in, sem_out):
    B = pl.num_programs(0)
    H, W = img_hbm.shape[-2:]
    NCAM = img_hbm.shape[1]
    i = pl.program_id(0)
    slot = jax.lax.rem(i, _NSLOT)
    nxt = jax.lax.rem(i + 1, _NSLOT)

    @pl.when(i == 0)
    def _warmup():
        for k in range(0, NCAM, 2):
            pltpu.make_async_copy(
                img_hbm.at[0, pl.ds(k, 2)], vbuf.at[0, pl.ds(k, 2)],
                sem_in.at[0]).start()

    @pl.when(i >= _NSLOT - 1)
    def _drain_old():
        j = i - (_NSLOT - 1)
        js = jax.lax.rem(j, _NSLOT)
        for k in range(0, NCAM, 2):
            pltpu.make_async_copy(
                vbuf.at[js, pl.ds(k, 2)], img_out_hbm.at[j, pl.ds(k, 2)],
                sem_out.at[js]).wait()

    @pl.when(i + 1 < B)
    def _prefetch():
        for k in range(0, NCAM, 2):
            pltpu.make_async_copy(
                img_hbm.at[i + 1, pl.ds(k, 2)], vbuf.at[nxt, pl.ds(k, 2)],
                sem_in.at[nxt]).start()

    cam = s_ref[0, i]
    top = s_ref[1, i]
    bot = s_ref[2, i]
    left = s_ref[3, i]
    right = s_ref[4, i]
    rows = jax.lax.broadcasted_iota(jnp.int32, (H, W), 0)
    cols = jax.lax.broadcasted_iota(jnp.int32, (H, W), 1)
    in_rect = (rows >= top) & (rows < bot) & (cols >= left) & (cols < right)

    for k in range(0, NCAM, 2):
        pltpu.make_async_copy(
            img_hbm.at[i, pl.ds(k, 2)], vbuf.at[slot, pl.ds(k, 2)],
            sem_in.at[slot]).wait()
    vbuf[slot, cam] = jnp.where(in_rect[None], 0.0, vbuf[slot, cam])
    for k in range(0, NCAM, 2):
        pltpu.make_async_copy(
            vbuf.at[slot, pl.ds(k, 2)], img_out_hbm.at[i, pl.ds(k, 2)],
            sem_out.at[slot]).start()

    @pl.when(i == B - 1)
    def _drain_last():
        for d in range(_NSLOT - 1):
            j = i - d
            js = jax.lax.rem(j, _NSLOT)
            for k in range(0, NCAM, 2):
                pltpu.make_async_copy(
                    vbuf.at[js, pl.ds(k, 2)], img_out_hbm.at[j, pl.ds(k, 2)],
                    sem_out.at[js]).wait()


def _sc_masks(scalars16, patterns, B, NCAM, H, W, dtype):
    mesh = plsc.VectorSubcoreMesh(core_axis_name="c", subcore_axis_name="s")

    @functools.partial(
        pl.kernel, mesh=mesh,
        out_type=jax.ShapeDtypeStruct((B, NCAM, 1, H, W), dtype),
        scratch_types=[
            pltpu.VMEM((B, _L), jnp.int32),
            pltpu.VMEM((H, W), jnp.float32),
            pltpu.VMEM((H, W), jnp.float32),
            pltpu.SemaphoreType.DMA,
        ],
    )
    def k(s_hbm, p_hbm, out_hbm, s_v, ones_v, patt_v, sem):
        wid = lax.axis_index("s") * 2 + lax.axis_index("c")
        b = wid
        pltpu.sync_copy(s_hbm, s_v)
        srow = s_v[b]
        cam = srow[0]
        ones16 = jnp.ones((_L,), jnp.float32)

        def fill_ones(h, _):
            for g in range(W // _L):
                ones_v[h, pl.ds(g * _L, _L)] = ones16
            return 0

        lax.fori_loop(0, H, fill_ones, 0, unroll=False)
        pltpu.sync_copy(p_hbm.at[b], patt_v)

        for c in range(NCAM):
            pltpu.make_async_copy(ones_v, out_hbm.at[b, c, 0], sem).start()
        for c in range(NCAM):
            pltpu.make_async_copy(ones_v, out_hbm.at[b, c, 0], sem).wait()
        pltpu.make_async_copy(patt_v, out_hbm.at[b, cam, 0], sem).start()
        pltpu.make_async_copy(patt_v, out_hbm.at[b, cam, 0], sem).wait()

    return k(scalars16, patterns)


def kernel(imgs, grids, masks):
    B, NCAM, C, H, W = imgs.shape

    key = jax.random.key(42)
    k1, k2, k3, k4, k5 = jax.random.split(key, 5)
    cam = jax.random.randint(k1, (B,), 0, NCAM)
    area = float(H * W)
    target_area = jax.random.uniform(k2, (B,), minval=0.02, maxval=0.33) * area
    log_ratio = jax.random.uniform(k3, (B,), minval=jnp.log(0.3), maxval=jnp.log(3.3))
    aspect = jnp.exp(log_ratio)
    h_box = jnp.clip(jnp.round(jnp.sqrt(target_area * aspect)), 1, H).astype(jnp.int32)
    w_box = jnp.clip(jnp.round(jnp.sqrt(target_area / aspect)), 1, W).astype(jnp.int32)
    top = (jax.random.uniform(k4, (B,)) * (H - h_box + 1).astype(jnp.float32)).astype(jnp.int32)
    left = (jax.random.uniform(k5, (B,)) * (W - w_box + 1).astype(jnp.float32)).astype(jnp.int32)
    scalars = jnp.stack([cam, top, top + h_box, left, left + w_box])
    scalars16 = jnp.zeros((B, _L), jnp.int32).at[:, :5].set(scalars.T)

    patterns = pl.pallas_call(
        _patt_body,
        grid=(B,),
        in_specs=[pl.BlockSpec(memory_space=pltpu.SMEM)],
        out_specs=pl.BlockSpec((1, H, W), lambda b: (b, 0, 0)),
        out_shape=jax.ShapeDtypeStruct((B, H, W), jnp.float32),
    )(scalars)

    masks_out = _sc_masks(scalars16, patterns, B, NCAM, H, W, masks.dtype)

    imgs_out = pl.pallas_call(
        _img_body,
        grid=(B,),
        in_specs=[
            pl.BlockSpec(memory_space=pltpu.SMEM),
            pl.BlockSpec(memory_space=pl.ANY),
        ],
        out_specs=pl.BlockSpec(memory_space=pl.ANY),
        out_shape=jax.ShapeDtypeStruct((B, NCAM, C, H, W), imgs.dtype),
        scratch_shapes=[
            pltpu.VMEM((_NSLOT, NCAM, C, H, W), jnp.float32),
            pltpu.SemaphoreType.DMA((_NSLOT,)),
            pltpu.SemaphoreType.DMA((_NSLOT,)),
        ],
        compiler_params=pltpu.CompilerParams(
            dimension_semantics=("arbitrary",),
        ),
    )(scalars, imgs)

    return (imgs_out, grids, masks_out)

# --- scband reference (transcript-rebuilt; emitter-appended) ---
"""Pipeline reference for scband-random-single-image-masking-28535762715151 (READ-ONLY COPY).

The authoritative reference and input builder live on the scoring server;
editing this copy changes nothing except your own understanding.
"""

import jax, jax.numpy as jnp
import numpy as np

B, NCAM, H, W = 32, 6, 224, 224

def setup_inputs(seed: int = 0) -> dict:
    key = jax.random.key(seed)
    k1, k2, k3 = jax.random.split(key, 3)
    imgs = jax.random.normal(k1, (B, NCAM, 3, H, W), dtype=jnp.float32)
    grids = jax.random.normal(k2, (B, NCAM, 2, H, W), dtype=jnp.float32)
    masks = jnp.ones((B, NCAM, 1, H, W), dtype=jnp.float32)
    return {"imgs": imgs, "grids": grids, "masks": masks}

def reference(imgs, grids, masks):
    # Faithful translation of RandomSingleImageMasking.forward:
    # 1) pick one camera per batch element, 2) gather its mask, 3) random-erase a
    # rectangle (kornia RandomErasing with p=1, scale=(0.02,0.33), ratio=(0.3,3.3), value=0),
    # 4) scatter the erased mask back, 5) gather the chosen image, zero it where mask==0,
    # and scatter it back.
    key = jax.random.key(42)
    k1, k2, k3, k4, k5 = jax.random.split(key, 5)
    b = masks.shape[0]
    num_cameras = masks.shape[1]
    h_img, w_img = masks.shape[-2], masks.shape[-1]
    batch_idx = jnp.arange(b)
    cam = jax.random.randint(k1, (b,), 0, num_cameras)

    # gather selected per-camera mask: [B, 1, H, W]
    selected_mask = masks[batch_idx, cam]

    # --- RandomErasing (p=1.0, scale=(0.02,0.33), ratio=(0.3,3.3), value=0) ---
    area = float(h_img * w_img)
    target_area = jax.random.uniform(k2, (b,), minval=0.02, maxval=0.33) * area
    log_ratio = jax.random.uniform(k3, (b,), minval=jnp.log(0.3), maxval=jnp.log(3.3))
    aspect = jnp.exp(log_ratio)
    h_box = jnp.clip(jnp.round(jnp.sqrt(target_area * aspect)), 1, h_img).astype(jnp.int32)
    w_box = jnp.clip(jnp.round(jnp.sqrt(target_area / aspect)), 1, w_img).astype(jnp.int32)
    top = (jax.random.uniform(k4, (b,)) * (h_img - h_box + 1).astype(jnp.float32)).astype(jnp.int32)
    left = (jax.random.uniform(k5, (b,)) * (w_img - w_box + 1).astype(jnp.float32)).astype(jnp.int32)
    rows = jnp.arange(h_img)[None, :]
    cols = jnp.arange(w_img)[None, :]
    row_in = (rows >= top[:, None]) & (rows < (top + h_box)[:, None])   # [B, H]
    col_in = (cols >= left[:, None]) & (cols < (left + w_box)[:, None])  # [B, W]
    erase = row_in[:, None, :, None] & col_in[:, None, None, :]          # [B, 1, H, W]
    erased_mask = jnp.where(erase, 0.0, selected_mask)

    # scatter erased mask back: masks[cam_idx] = selected_mask
    masks_out = masks.at[batch_idx, cam].set(erased_mask)

    # gather chosen image, zero out erased pixels, scatter back
    chosen_img = imgs[batch_idx, cam]                                    # [B, 3, H, W]
    new_img = jnp.where(erased_mask.astype(bool), chosen_img, 0.0)
    imgs_out = imgs.at[batch_idx, cam].set(new_img)

    return (imgs_out, grids, masks_out)

if __name__ == "__main__":
    import jax
    _d = setup_inputs()
    print(jax.jit(kernel)(*tuple(_d.values())))

</pallas_src>

<mosaic_0001>
#map = affine_map<(d0, d1) -> (0, 0)>
#map1 = affine_map<(d0, d1) -> (0, 0, 0)>
#map2 = affine_map<(d0, d1) -> (0, 0, 0, 0, 0)>
module attributes {stable_mosaic.version = 14 : i64} {
  func.func @k(%arg0: i32, %arg1: i32, %arg2: memref<32x16xi32, #tpu.memory_space<hbm>>, %arg3: memref<32x224x224xf32, #tpu.memory_space<hbm>>, %arg4: memref<32x6x1x224x224xf32, #tpu.memory_space<hbm>>, %arg5: memref<32x16xi32, #tpu.memory_space<vmem>>, %arg6: memref<224x224xf32, #tpu.memory_space<vmem>>, %arg7: memref<224x224xf32, #tpu.memory_space<vmem>>, %arg8: memref<!tpu.dma_semaphore, #tpu.memory_space<semaphore_mem>>) attributes {dimension_semantics = [#tpu.dimension_semantics<core_parallel>, #tpu.dimension_semantics<subcore_parallel>], iteration_bounds = array<i64: 2, 16>, scalar_prefetch = 0 : i64, scratch_operands = 4 : i64, tpu.core_type = #tpu.core_type<sc_vector_subcore>, window_params = [{transform_indices = #map}, {transform_indices = #map1}, {transform_indices = #map2}]} {
    %mul3A = arith.constant 2 : i32
    %mul3A_0 = arith.muli %arg1, %mul3A : i32
    %add3A = arith.addi %mul3A_0, %arg0 : i32
    "tpu.region"() ({
      %run_scoped3A = tpu.sem_alloc : memref<!tpu.dma_semaphore, #tpu.memory_space<semaphore_mem>>
      tpu.enqueue_dma source(%arg2 : memref<32x16xi32, #tpu.memory_space<hbm>>) target(%arg5 : memref<32x16xi32, #tpu.memory_space<vmem>>) target_semaphore(%run_scoped3A : memref<!tpu.dma_semaphore, #tpu.memory_space<semaphore_mem>>)
      tpu.wait_dma2 semaphore(%run_scoped3A : memref<!tpu.dma_semaphore, #tpu.memory_space<semaphore_mem>>) src(%arg2 : memref<32x16xi32, #tpu.memory_space<hbm>>) dst(%arg5 : memref<32x16xi32, #tpu.memory_space<vmem>>)
      tpu.yield
    }) : () -> ()
    %get3A = arith.index_cast %add3A : i32 to index
    %get3A_1 = arith.constant 0 : index
    %get3A_2 = tpu.vector_load %arg5[%get3A, %get3A_1] {strides = array<i32>} : memref<32x16xi32, #tpu.memory_space<vmem>>, vector<1x16xi32>,
    %get3A_3 = vector.shape_cast %get3A_2 : vector<1x16xi32> to vector<16xi32>
    %slice3A = vector.extract_strided_slice %get3A_3 {offsets = [0], sizes = [1], strides = [1]} : vector<16xi32> to vector<1xi32>
    %squeeze3A = vector.extract %slice3A[0] : i32 from vector<1xi32>
    %broadcast_in_dim3A = arith.constant 1.000000e+00 : f32
    %broadcast_in_dim3A_4 = vector.broadcast %broadcast_in_dim3A : f32 to vector<16xf32>
    %scan3A = arith.constant 0 : i32
    %scan3A_5 = arith.constant 0 : i32
    %scan3A_6 = arith.constant 224 : i32
    %scan3A_7 = arith.addi %scan3A_5, %scan3A_6 : i32
    %scan3A_8 = arith.constant 1 : i32
    %scan3A_9 = scf.for %scan3A_147 = %scan3A_5 to %scan3A_7 step %scan3A_8 iter_args(%scan3A_148 = %scan3A) -> (i32)  : i32 {
      %swap3A = arith.index_cast %scan3A_147 : i32 to index
      %swap3A_149 = arith.constant 0 : index
      %swap3A_150 = tpu.vector_load %arg6[%swap3A, %swap3A_149] {strides = array<i32>} : memref<224x224xf32, #tpu.memory_space<vmem>>, vector<1x16xf32>,
      %swap3A_151 = vector.shape_cast %swap3A_150 : vector<1x16xf32> to vector<16xf32>
      %swap3A_152 = vector.shape_cast %broadcast_in_dim3A_4 : vector<16xf32> to vector<1x16xf32>
      tpu.vector_store %arg6[%swap3A, %swap3A_149], %swap3A_152 {strides = array<i32>} : memref<224x224xf32, #tpu.memory_space<vmem>>, vector<1x16xf32>,
      %swap3A_153 = arith.index_cast %scan3A_147 : i32 to index
      %swap3A_154 = arith.constant 16 : index
      %swap3A_155 = tpu.vector_load %arg6[%swap3A_153, %swap3A_154] {strides = array<i32>} : memref<224x224xf32, #tpu.memory_space<vmem>>, vector<1x16xf32>,
      %swap3A_156 = vector.shape_cast %swap3A_155 : vector<1x16xf32> to vector<16xf32>
      %swap3A_157 = vector.shape_cast %broadcast_in_dim3A_4 : vector<16xf32> to vector<1x16xf32>
      tpu.vector_store %arg6[%swap3A_153, %swap3A_154], %swap3A_157 {strides = array<i32>} : memref<224x224xf32, #tpu.memory_space<vmem>>, vector<1x16xf32>,
      %swap3A_158 = arith.index_cast %scan3A_147 : i32 to index
      %swap3A_159 = arith.constant 32 : index
      %swap3A_160 = tpu.vector_load %arg6[%swap3A_158, %swap3A_159] {strides = array<i32>} : memref<224x224xf32, #tpu.memory_space<vmem>>, vector<1x16xf32>,
      %swap3A_161 = vector.shape_cast %swap3A_160 : vector<1x16xf32> to vector<16xf32>
      %swap3A_162 = vector.shape_cast %broadcast_in_dim3A_4 : vector<16xf32> to vector<1x16xf32>
      tpu.vector_store %arg6[%swap3A_158, %swap3A_159], %swap3A_162 {strides = array<i32>} : memref<224x224xf32, #tpu.memory_space<vmem>>, vector<1x16xf32>,
      %swap3A_163 = arith.index_cast %scan3A_147 : i32 to index
      %swap3A_164 = arith.constant 48 : index
      %swap3A_165 = tpu.vector_load %arg6[%swap3A_163, %swap3A_164] {strides = array<i32>} : memref<224x224xf32, #tpu.memory_space<vmem>>, vector<1x16xf32>,
      %swap3A_166 = vector.shape_cast %swap3A_165 : vector<1x16xf32> to vector<16xf32>
      %swap3A_167 = vector.shape_cast %broadcast_in_dim3A_4 : vector<16xf32> to vector<1x16xf32>
      tpu.vector_store %arg6[%swap3A_163, %swap3A_164], %swap3A_167 {strides = array<i32>} : memref<224x224xf32, #tpu.memory_space<vmem>>, vector<1x16xf32>,
      %swap3A_168 = arith.index_cast %scan3A_147 : i32 to index
      %swap3A_169 = arith.constant 64 : index
      %swap3A_170 = tpu.vector_load %arg6[%swap3A_168, %swap3A_169] {strides = array<i32>} : memref<224x224xf32, #tpu.memory_space<vmem>>, vector<1x16xf32>,
      %swap3A_171 = vector.shape_cast %swap3A_170 : vector<1x16xf32> to vector<16xf32>
      %swap3A_172 = vector.shape_cast %broadcast_in_dim3A_4 : vector<16xf32> to vector<1x16xf32>
      tpu.vector_store %arg6[%swap3A_168, %swap3A_169], %swap3A_172 {strides = array<i32>} : memref<224x224xf32, #tpu.memory_space<vmem>>, vector<1x16xf32>,
      %swap3A_173 = arith.index_cast %scan3A_147 : i32 to index
      %swap3A_174 = arith.constant 80 : index
      %swap3A_175 = tpu.vector_load %arg6[%swap3A_173, %swap3A_174] {strides = array<i32>} : memref<224x224xf32, #tpu.memory_space<vmem>>, vector<1x16xf32>,
      %swap3A_176 = vector.shape_cast %swap3A_175 : vector<1x16xf32> to vector<16xf32>
      %swap3A_177 = vector.shape_cast %broadcast_in_dim3A_4 : vector<16xf32> to vector<1x16xf32>
      tpu.vector_store %arg6[%swap3A_173, %swap3A_174], %swap3A_177 {strides = array<i32>} : memref<224x224xf32, #tpu.memory_space<vmem>>, vector<1x16xf32>,
      %swap3A_178 = arith.index_cast %scan3A_147 : i32 to index
      %swap3A_179 = arith.constant 96 : index
      %swap3A_180 = tpu.vector_load %arg6[%swap3A_178, %swap3A_179] {strides = array<i32>} : memref<224x224xf32, #tpu.memory_space<vmem>>, vector<1x16xf32>,
      %swap3A_181 = vector.shape_cast %swap3A_180 : vector<1x16xf32> to vector<16xf32>
      %swap3A_182 = vector.shape_cast %broadcast_in_dim3A_4 : vector<16xf32> to vector<1x16xf32>
      tpu.vector_store %arg6[%swap3A_178, %swap3A_179], %swap3A_182 {strides = array<i32>} : memref<224x224xf32, #tpu.memory_space<vmem>>, vector<1x16xf32>,
      %swap3A_183 = arith.index_cast %scan3A_147 : i32 to index
      %swap3A_184 = arith.constant 112 : index
      %swap3A_185 = tpu.vector_load %arg6[%swap3A_183, %swap3A_184] {strides = array<i32>} : memref<224x224xf32, #tpu.memory_space<vmem>>, vector<1x16xf32>,
      %swap3A_186 = vector.shape_cast %swap3A_185 : vector<1x16xf32> to vector<16xf32>
      %swap3A_187 = vector.shape_cast %broadcast_in_dim3A_4 : vector<16xf32> to vector<1x16xf32>
      tpu.vector_store %arg6[%swap3A_183, %swap3A_184], %swap3A_187 {strides = array<i32>} : memref<224x224xf32, #tpu.memory_space<vmem>>, vector<1x16xf32>,
      %swap3A_188 = arith.index_cast %scan3A_147 : i32 to index
      %swap3A_189 = arith.constant 128 : index
      %swap3A_190 = tpu.vector_load %arg6[%swap3A_188, %swap3A_189] {strides = array<i32>} : memref<224x224xf32, #tpu.memory_space<vmem>>, vector<1x16xf32>,
      %swap3A_191 = vector.shape_cast %swap3A_190 : vector<1x16xf32> to vector<16xf32>
      %swap3A_192 = vector.shape_cast %broadcast_in_dim3A_4 : vector<16xf32> to vector<1x16xf32>
      tpu.vector_store %arg6[%swap3A_188, %swap3A_189], %swap3A_192 {strides = array<i32>} : memref<224x224xf32, #tpu.memory_space<vmem>>, vector<1x16xf32>,
      %swap3A_193 = arith.index_cast %scan3A_147 : i32 to index
      %swap3A_194 = arith.constant 144 : index
      %swap3A_195 = tpu.vector_load %arg6[%swap3A_193, %swap3A_194] {strides = array<i32>} : memref<224x224xf32, #tpu.memory_space<vmem>>, vector<1x16xf32>,
      %swap3A_196 = vector.shape_cast %swap3A_195 : vector<1x16xf32> to vector<16xf32>
      %swap3A_197 = vector.shape_cast %broadcast_in_dim3A_4 : vector<16xf32> to vector<1x16xf32>
      tpu.vector_store %arg6[%swap3A_193, %swap3A_194], %swap3A_197 {strides = array<i32>} : memref<224x224xf32, #tpu.memory_space<vmem>>, vector<1x16xf32>,
      %swap3A_198 = arith.index_cast %scan3A_147 : i32 to index
      %swap3A_199 = arith.constant 160 : index
      %swap3A_200 = tpu.vector_load %arg6[%swap3A_198, %swap3A_199] {strides = array<i32>} : memref<224x224xf32, #tpu.memory_space<vmem>>, vector<1x16xf32>,
      %swap3A_201 = vector.shape_cast %swap3A_200 : vector<1x16xf32> to vector<16xf32>
      %swap3A_202 = vector.shape_cast %broadcast_in_dim3A_4 : vector<16xf32> to vector<1x16xf32>
      tpu.vector_store %arg6[%swap3A_198, %swap3A_199], %swap3A_202 {strides = array<i32>} : memref<224x224xf32, #tpu.memory_space<vmem>>, vector<1x16xf32>,
      %swap3A_203 = arith.index_cast %scan3A_147 : i32 to index
      %swap3A_204 = arith.constant 176 : index
      %swap3A_205 = tpu.vector_load %arg6[%swap3A_203, %swap3A_204] {strides = array<i32>} : memref<224x224xf32, #tpu.memory_space<vmem>>, vector<1x16xf32>,
      %swap3A_206 = vector.shape_cast %swap3A_205 : vector<1x16xf32> to vector<16xf32>
      %swap3A_207 = vector.shape_cast %broadcast_in_dim3A_4 : vector<16xf32> to vector<1x16xf32>
      tpu.vector_store %arg6[%swap3A_203, %swap3A_204], %swap3A_207 {strides = array<i32>} : memref<224x224xf32, #tpu.memory_space<vmem>>, vector<1x16xf32>,
      %swap3A_208 = arith.index_cast %scan3A_147 : i32 to index
      %swap3A_209 = arith.constant 192 : index
      %swap3A_210 = tpu.vector_load %arg6[%swap3A_208, %swap3A_209] {strides = array<i32>} : memref<224x224xf32, #tpu.memory_space<vmem>>, vector<1x16xf32>,
      %swap3A_211 = vector.shape_cast %swap3A_210 : vector<1x16xf32> to vector<16xf32>
      %swap3A_212 = vector.shape_cast %broadcast_in_dim3A_4 : vector<16xf32> to vector<1x16xf32>
      tpu.vector_store %arg6[%swap3A_208, %swap3A_209], %swap3A_212 {strides = array<i32>} : memref<224x224xf32, #tpu.memory_space<vmem>>, vector<1x16xf32>,
      %swap3A_213 = arith.index_cast %scan3A_147 : i32 to index
      %swap3A_214 = arith.constant 208 : index
      %swap3A_215 = tpu.vector_load %arg6[%swap3A_213, %swap3A_214] {strides = array<i32>} : memref<224x224xf32, #tpu.memory_space<vmem>>, vector<1x16xf32>,
      %swap3A_216 = vector.shape_cast %swap3A_215 : vector<1x16xf32> to vector<16xf32>
      %swap3A_217 = vector.shape_cast %broadcast_in_dim3A_4 : vector<16xf32> to vector<1x16xf32>
      tpu.vector_store %arg6[%swap3A_213, %swap3A_214], %swap3A_217 {strides = array<i32>} : memref<224x224xf32, #tpu.memory_space<vmem>>, vector<1x16xf32>,
      %scan3A_218 = arith.constant 0 : i32
      scf.yield %scan3A_218 : i32
    }
    %scan3A_10 = arith.constant 224 : i32
    "tpu.region"() ({
      %run_scoped3A = tpu.sem_alloc : memref<!tpu.dma_semaphore, #tpu.memory_space<semaphore_mem>>
      %dma_start3A_147 = arith.constant 0 : i32
      %dma_start3A_148 = arith.constant 0 : i32
      %dma_start3A_149 = tpu.memref_slice %arg3[%add3A, %dma_start3A_147, %dma_start3A_148] : memref<32x224x224xf32, #tpu.memory_space<hbm>> -> memref<1x224x224xf32, #tpu.memory_space<hbm>>
      %dma_start3A_150 = tpu.memref_squeeze %dma_start3A_149 : memref<1x224x224xf32, #tpu.memory_space<hbm>> -> memref<224x224xf32, #tpu.memory_space<hbm>>
      %dma_start3A_151 = arith.constant 0 : i32
      %dma_start3A_152 = arith.constant 0 : i32
      %dma_start3A_153 = tpu.memref_slice %arg3[%add3A, %dma_start3A_151, %dma_start3A_152] : memref<32x224x224xf32, #tpu.memory_space<hbm>> -> memref<1x224x224xf32, #tpu.memory_space<hbm>>
      %dma_start3A_154 = tpu.memref_squeeze %dma_start3A_153 : memref<1x224x224xf32, #tpu.memory_space<hbm>> -> memref<224x224xf32, #tpu.memory_space<hbm>>
      tpu.enqueue_dma source(%dma_start3A_154 : memref<224x224xf32, #tpu.memory_space<hbm>>) target(%arg7 : memref<224x224xf32, #tpu.memory_space<vmem>>) target_semaphore(%run_scoped3A : memref<!tpu.dma_semaphore, #tpu.memory_space<semaphore_mem>>)
      %dma_wait3A_155 = arith.constant 0 : i32
      %dma_wait3A_156 = arith.constant 0 : i32
      %dma_wait3A_157 = tpu.memref_slice %arg3[%add3A, %dma_wait3A_155, %dma_wait3A_156] : memref<32x224x224xf32, #tpu.memory_space<hbm>> -> memref<1x224x224xf32, #tpu.memory_space<hbm>>
      %dma_wait3A_158 = tpu.memref_squeeze %dma_wait3A_157 : memref<1x224x224xf32, #tpu.memory_space<hbm>> -> memref<224x224xf32, #tpu.memory_space<hbm>>
      %dma_wait3A_159 = arith.constant 0 : i32
      %dma_wait3A_160 = arith.constant 0 : i32
      %dma_wait3A_161 = tpu.memref_slice %arg3[%add3A, %dma_wait3A_159, %dma_wait3A_160] : memref<32x224x224xf32, #tpu.memory_space<hbm>> -> memref<1x224x224xf32, #tpu.memory_space<hbm>>
      %dma_wait3A_162 = tpu.memref_squeeze %dma_wait3A_161 : memref<1x224x224xf32, #tpu.memory_space<hbm>> -> memref<224x224xf32, #tpu.memory_space<hbm>>
      tpu.wait_dma2 semaphore(%run_scoped3A : memref<!tpu.dma_semaphore, #tpu.memory_space<semaphore_mem>>) src(%dma_wait3A_162 : memref<224x224xf32, #tpu.memory_space<hbm>>) dst(%arg7 : memref<224x224xf32, #tpu.memory_space<vmem>>)
      tpu.yield
    }) : () -> ()
    %dma_start3A = arith.constant 0 : i32
    %dma_start3A_11 = arith.constant 0 : i32
    %dma_start3A_12 = arith.constant 0 : i32
    %dma_start3A_13 = arith.constant 0 : i32
    %dma_start3A_14 = tpu.memref_slice %arg4[%add3A, %dma_start3A, %dma_start3A_11, %dma_start3A_12, %dma_start3A_13] : memref<32x6x1x224x224xf32, #tpu.memory_space<hbm>> -> memref<1x1x1x224x224xf32, #tpu.memory_space<hbm>>
    %dma_start3A_15 = tpu.memref_squeeze %dma_start3A_14 : memref<1x1x1x224x224xf32, #tpu.memory_space<hbm>> -> memref<224x224xf32, #tpu.memory_space<hbm>>
    %dma_start3A_16 = arith.constant 0 : i32
    %dma_start3A_17 = arith.constant 0 : i32
    %dma_start3A_18 = tpu.memref_slice %arg4[%add3A, %dma_start3A, %dma_start3A_11, %dma_start3A_16, %dma_start3A_17] : memref<32x6x1x224x224xf32, #tpu.memory_space<hbm>> -> memref<1x1x1x224x224xf32, #tpu.memory_space<hbm>>
    %dma_start3A_19 = tpu.memref_squeeze %dma_start3A_18 : memref<1x1x1x224x224xf32, #tpu.memory_space<hbm>> -> memref<224x224xf32, #tpu.memory_space<hbm>>
    tpu.enqueue_dma source(%arg6 : memref<224x224xf32, #tpu.memory_space<vmem>>) target(%dma_start3A_19 : memref<224x224xf32, #tpu.memory_space<hbm>>) target_semaphore(%arg8 : memref<!tpu.dma_semaphore, #tpu.memory_space<semaphore_mem>>)
    %dma_start3A_20 = arith.constant 1 : i32
    %dma_start3A_21 = arith.constant 0 : i32
    %dma_start3A_22 = arith.constant 0 : i32
    %dma_start3A_23 = arith.constant 0 : i32
    %dma_start3A_24 = tpu.memref_slice %arg4[%add3A, %dma_start3A_20, %dma_start3A_21, %dma_start3A_22, %dma_start3A_23] : memref<32x6x1x224x224xf32, #tpu.memory_space<hbm>> -> memref<1x1x1x224x224xf32, #tpu.memory_space<hbm>>
    %dma_start3A_25 = tpu.memref_squeeze %dma_start3A_24 : memref<1x1x1x224x224xf32, #tpu.memory_space<hbm>> -> memref<224x224xf32, #tpu.memory_space<hbm>>
    %dma_start3A_26 = arith.constant 0 : i32
    %dma_start3A_27 = arith.constant 0 : i32
    %dma_start3A_28 = tpu.memref_slice %arg4[%add3A, %dma_start3A_20, %dma_start3A_21, %dma_start3A_26, %dma_start3A_27] : memref<32x6x1x224x224xf32, #tpu.memory_space<hbm>> -> memref<1x1x1x224x224xf32, #tpu.memory_space<hbm>>
    %dma_start3A_29 = tpu.memref_squeeze %dma_start3A_28 : memref<1x1x1x224x224xf32, #tpu.memory_space<hbm>> -> memref<224x224xf32, #tpu.memory_space<hbm>>
    tpu.enqueue_dma source(%arg6 : memref<224x224xf32, #tpu.memory_space<vmem>>) target(%dma_start3A_29 : memref<224x224xf32, #tpu.memory_space<hbm>>) target_semaphore(%arg8 : memref<!tpu.dma_semaphore, #tpu.memory_space<semaphore_mem>>)
    %dma_start3A_30 = arith.constant 2 : i32
    %dma_start3A_31 = arith.constant 0 : i32
    %dma_start3A_32 = arith.constant 0 : i32
    %dma_start3A_33 = arith.constant 0 : i32
    %dma_start3A_34 = tpu.memref_slice %arg4[%add3A, %dma_start3A_30, %dma_start3A_31, %dma_start3A_32, %dma_start3A_33] : memref<32x6x1x224x224xf32, #tpu.memory_space<hbm>> -> memref<1x1x1x224x224xf32, #tpu.memory_space<hbm>>
    %dma_start3A_35 = tpu.memref_squeeze %dma_start3A_34 : memref<1x1x1x224x224xf32, #tpu.memory_space<hbm>> -> memref<224x224xf32, #tpu.memory_space<hbm>>
    %dma_start3A_36 = arith.constant 0 : i32
    %dma_start3A_37 = arith.constant 0 : i32
    %dma_start3A_38 = tpu.memref_slice %arg4[%add3A, %dma_start3A_30, %dma_start3A_31, %dma_start3A_36, %dma_start3A_37] : memref<32x6x1x224x224xf32, #tpu.memory_space<hbm>> -> memref<1x1x1x224x224xf32, #tpu.memory_space<hbm>>
    %dma_start3A_39 = tpu.memref_squeeze %dma_start3A_38 : memref<1x1x1x224x224xf32, #tpu.memory_space<hbm>> -> memref<224x224xf32, #tpu.memory_space<hbm>>
    tpu.enqueue_dma source(%arg6 : memref<224x224xf32, #tpu.memory_space<vmem>>) target(%dma_start3A_39 : memref<224x224xf32, #tpu.memory_space<hbm>>) target_semaphore(%arg8 : memref<!tpu.dma_semaphore, #tpu.memory_space<semaphore_mem>>)
    %dma_start3A_40 = arith.constant 3 : i32
    %dma_start3A_41 = arith.constant 0 : i32
    %dma_start3A_42 = arith.constant 0 : i32
    %dma_start3A_43 = arith.constant 0 : i32
    %dma_start3A_44 = tpu.memref_slice %arg4[%add3A, %dma_start3A_40, %dma_start3A_41, %dma_start3A_42, %dma_start3A_43] : memref<32x6x1x224x224xf32, #tpu.memory_space<hbm>> -> memref<1x1x1x224x224xf32, #tpu.memory_space<hbm>>
    %dma_start3A_45 = tpu.memref_squeeze %dma_start3A_44 : memref<1x1x1x224x224xf32, #tpu.memory_space<hbm>> -> memref<224x224xf32, #tpu.memory_space<hbm>>
    %dma_start3A_46 = arith.constant 0 : i32
    %dma_start3A_47 = arith.constant 0 : i32
    %dma_start3A_48 = tpu.memref_slice %arg4[%add3A, %dma_start3A_40, %dma_start3A_41, %dma_start3A_46, %dma_start3A_47] : memref<32x6x1x224x224xf32, #tpu.memory_space<hbm>> -> memref<1x1x1x224x224xf32, #tpu.memory_space<hbm>>
    %dma_start3A_49 = tpu.memref_squeeze %dma_start3A_48 : memref<1x1x1x224x224xf32, #tpu.memory_space<hbm>> -> memref<224x224xf32, #tpu.memory_space<hbm>>
    tpu.enqueue_dma source(%arg6 : memref<224x224xf32, #tpu.memory_space<vmem>>) target(%dma_start3A_49 : memref<224x224xf32, #tpu.memory_space<hbm>>) target_semaphore(%arg8 : memref<!tpu.dma_semaphore, #tpu.memory_space<semaphore_mem>>)
    %dma_start3A_50 = arith.constant 4 : i32
    %dma_start3A_51 = arith.constant 0 : i32
    %dma_start3A_52 = arith.constant 0 : i32
    %dma_start3A_53 = arith.constant 0 : i32
    %dma_start3A_54 = tpu.memref_slice %arg4[%add3A, %dma_start3A_50, %dma_start3A_51, %dma_start3A_52, %dma_start3A_53] : memref<32x6x1x224x224xf32, #tpu.memory_space<hbm>> -> memref<1x1x1x224x224xf32, #tpu.memory_space<hbm>>
    %dma_start3A_55 = tpu.memref_squeeze %dma_start3A_54 : memref<1x1x1x224x224xf32, #tpu.memory_space<hbm>> -> memref<224x224xf32, #tpu.memory_space<hbm>>
    %dma_start3A_56 = arith.constant 0 : i32
    %dma_start3A_57 = arith.constant 0 : i32
    %dma_start3A_58 = tpu.memref_slice %arg4[%add3A, %dma_start3A_50, %dma_start3A_51, %dma_start3A_56, %dma_start3A_57] : memref<32x6x1x224x224xf32, #tpu.memory_space<hbm>> -> memref<1x1x1x224x224xf32, #tpu.memory_space<hbm>>
    %dma_start3A_59 = tpu.memref_squeeze %dma_start3A_58 : memref<1x1x1x224x224xf32, #tpu.memory_space<hbm>> -> memref<224x224xf32, #tpu.memory_space<hbm>>
    tpu.enqueue_dma source(%arg6 : memref<224x224xf32, #tpu.memory_space<vmem>>) target(%dma_start3A_59 : memref<224x224xf32, #tpu.memory_space<hbm>>) target_semaphore(%arg8 : memref<!tpu.dma_semaphore, #tpu.memory_space<semaphore_mem>>)
    %dma_start3A_60 = arith.constant 5 : i32
    %dma_start3A_61 = arith.constant 0 : i32
    %dma_start3A_62 = arith.constant 0 : i32
    %dma_start3A_63 = arith.constant 0 : i32
    %dma_start3A_64 = tpu.memref_slice %arg4[%add3A, %dma_start3A_60, %dma_start3A_61, %dma_start3A_62, %dma_start3A_63] : memref<32x6x1x224x224xf32, #tpu.memory_space<hbm>> -> memref<1x1x1x224x224xf32, #tpu.memory_space<hbm>>
    %dma_start3A_65 = tpu.memref_squeeze %dma_start3A_64 : memref<1x1x1x224x224xf32, #tpu.memory_space<hbm>> -> memref<224x224xf32, #tpu.memory_space<hbm>>
    %dma_start3A_66 = arith.constant 0 : i32
    %dma_start3A_67 = arith.constant 0 : i32
    %dma_start3A_68 = tpu.memref_slice %arg4[%add3A, %dma_start3A_60, %dma_start3A_61, %dma_start3A_66, %dma_start3A_67] : memref<32x6x1x224x224xf32, #tpu.memory_space<hbm>> -> memref<1x1x1x224x224xf32, #tpu.memory_space<hbm>>
    %dma_start3A_69 = tpu.memref_squeeze %dma_start3A_68 : memref<1x1x1x224x224xf32, #tpu.memory_space<hbm>> -> memref<224x224xf32, #tpu.memory_space<hbm>>
    tpu.enqueue_dma source(%arg6 : memref<224x224xf32, #tpu.memory_space<vmem>>) target(%dma_start3A_69 : memref<224x224xf32, #tpu.memory_space<hbm>>) target_semaphore(%arg8 : memref<!tpu.dma_semaphore, #tpu.memory_space<semaphore_mem>>)
    %dma_wait3A = arith.constant 0 : i32
    %dma_wait3A_70 = arith.constant 0 : i32
    %dma_wait3A_71 = arith.constant 0 : i32
    %dma_wait3A_72 = arith.constant 0 : i32
    %dma_wait3A_73 = tpu.memref_slice %arg4[%add3A, %dma_wait3A, %dma_wait3A_70, %dma_wait3A_71, %dma_wait3A_72] : memref<32x6x1x224x224xf32, #tpu.memory_space<hbm>> -> memref<1x1x1x224x224xf32, #tpu.memory_space<hbm>>
    %dma_wait3A_74 = tpu.memref_squeeze %dma_wait3A_73 : memref<1x1x1x224x224xf32, #tpu.memory_space<hbm>> -> memref<224x224xf32, #tpu.memory_space<hbm>>
    %dma_wait3A_75 = arith.constant 0 : i32
    %dma_wait3A_76 = arith.constant 0 : i32
    %dma_wait3A_77 = tpu.memref_slice %arg4[%add3A, %dma_wait3A, %dma_wait3A_70, %dma_wait3A_75, %dma_wait3A_76] : memref<32x6x1x224x224xf32, #tpu.memory_space<hbm>> -> memref<1x1x1x224x224xf32, #tpu.memory_space<hbm>>
    %dma_wait3A_78 = tpu.memref_squeeze %dma_wait3A_77 : memref<1x1x1x224x224xf32, #tpu.memory_space<hbm>> -> memref<224x224xf32, #tpu.memory_space<hbm>>
    tpu.wait_dma2 semaphore(%arg8 : memref<!tpu.dma_semaphore, #tpu.memory_space<semaphore_mem>>) src(%arg6 : memref<224x224xf32, #tpu.memory_space<vmem>>) dst(%dma_wait3A_78 : memref<224x224xf32, #tpu.memory_space<hbm>>)
    %dma_wait3A_79 = arith.constant 1 : i32
    %dma_wait3A_80 = arith.constant 0 : i32
    %dma_wait3A_81 = arith.constant 0 : i32
    %dma_wait3A_82 = arith.constant 0 : i32
    %dma_wait3A_83 = tpu.memref_slice %arg4[%add3A, %dma_wait3A_79, %dma_wait3A_80, %dma_wait3A_81, %dma_wait3A_82] : memref<32x6x1x224x224xf32, #tpu.memory_space<hbm>> -> memref<1x1x1x224x224xf32, #tpu.memory_space<hbm>>
    %dma_wait3A_84 = tpu.memref_squeeze %dma_wait3A_83 : memref<1x1x1x224x224xf32, #tpu.memory_space<hbm>> -> memref<224x224xf32, #tpu.memory_space<hbm>>
    %dma_wait3A_85 = arith.constant 0 : i32
    %dma_wait3A_86 = arith.constant 0 : i32
    %dma_wait3A_87 = tpu.memref_slice %arg4[%add3A, %dma_wait3A_79, %dma_wait3A_80, %dma_wait3A_85, %dma_wait3A_86] : memref<32x6x1x224x224xf32, #tpu.memory_space<hbm>> -> memref<1x1x1x224x224xf32, #tpu.memory_space<hbm>>
    %dma_wait3A_88 = tpu.memref_squeeze %dma_wait3A_87 : memref<1x1x1x224x224xf32, #tpu.memory_space<hbm>> -> memref<224x224xf32, #tpu.memory_space<hbm>>
    tpu.wait_dma2 semaphore(%arg8 : memref<!tpu.dma_semaphore, #tpu.memory_space<semaphore_mem>>) src(%arg6 : memref<224x224xf32, #tpu.memory_space<vmem>>) dst(%dma_wait3A_88 : memref<224x224xf32, #tpu.memory_space<hbm>>)
    %dma_wait3A_89 = arith.constant 2 : i32
    %dma_wait3A_90 = arith.constant 0 : i32
    %dma_wait3A_91 = arith.constant 0 : i32
    %dma_wait3A_92 = arith.constant 0 : i32
    %dma_wait3A_93 = tpu.memref_slice %arg4[%add3A, %dma_wait3A_89, %dma_wait3A_90, %dma_wait3A_91, %dma_wait3A_92] : memref<32x6x1x224x224xf32, #tpu.memory_space<hbm>> -> memref<1x1x1x224x224xf32, #tpu.memory_space<hbm>>
    %dma_wait3A_94 = tpu.memref_squeeze %dma_wait3A_93 : memref<1x1x1x224x224xf32, #tpu.memory_space<hbm>> -> memref<224x224xf32, #tpu.memory_space<hbm>>
    %dma_wait3A_95 = arith.constant 0 : i32
    %dma_wait3A_96 = arith.constant 0 : i32
    %dma_wait3A_97 = tpu.memref_slice %arg4[%add3A, %dma_wait3A_89, %dma_wait3A_90, %dma_wait3A_95, %dma_wait3A_96] : memref<32x6x1x224x224xf32, #tpu.memory_space<hbm>> -> memref<1x1x1x224x224xf32, #tpu.memory_space<hbm>>
    %dma_wait3A_98 = tpu.memref_squeeze %dma_wait3A_97 : memref<1x1x1x224x224xf32, #tpu.memory_space<hbm>> -> memref<224x224xf32, #tpu.memory_space<hbm>>
    tpu.wait_dma2 semaphore(%arg8 : memref<!tpu.dma_semaphore, #tpu.memory_space<semaphore_mem>>) src(%arg6 : memref<224x224xf32, #tpu.memory_space<vmem>>) dst(%dma_wait3A_98 : memref<224x224xf32, #tpu.memory_space<hbm>>)
    %dma_wait3A_99 = arith.constant 3 : i32
    %dma_wait3A_100 = arith.constant 0 : i32
    %dma_wait3A_101 = arith.constant 0 : i32
    %dma_wait3A_102 = arith.constant 0 : i32
    %dma_wait3A_103 = tpu.memref_slice %arg4[%add3A, %dma_wait3A_99, %dma_wait3A_100, %dma_wait3A_101, %dma_wait3A_102] : memref<32x6x1x224x224xf32, #tpu.memory_space<hbm>> -> memref<1x1x1x224x224xf32, #tpu.memory_space<hbm>>
    %dma_wait3A_104 = tpu.memref_squeeze %dma_wait3A_103 : memref<1x1x1x224x224xf32, #tpu.memory_space<hbm>> -> memref<224x224xf32, #tpu.memory_space<hbm>>
    %dma_wait3A_105 = arith.constant 0 : i32
    %dma_wait3A_106 = arith.constant 0 : i32
    %dma_wait3A_107 = tpu.memref_slice %arg4[%add3A, %dma_wait3A_99, %dma_wait3A_100, %dma_wait3A_105, %dma_wait3A_106] : memref<32x6x1x224x224xf32, #tpu.memory_space<hbm>> -> memref<1x1x1x224x224xf32, #tpu.memory_space<hbm>>
    %dma_wait3A_108 = tpu.memref_squeeze %dma_wait3A_107 : memref<1x1x1x224x224xf32, #tpu.memory_space<hbm>> -> memref<224x224xf32, #tpu.memory_space<hbm>>
    tpu.wait_dma2 semaphore(%arg8 : memref<!tpu.dma_semaphore, #tpu.memory_space<semaphore_mem>>) src(%arg6 : memref<224x224xf32, #tpu.memory_space<vmem>>) dst(%dma_wait3A_108 : memref<224x224xf32, #tpu.memory_space<hbm>>)
    %dma_wait3A_109 = arith.constant 4 : i32
    %dma_wait3A_110 = arith.constant 0 : i32
    %dma_wait3A_111 = arith.constant 0 : i32
    %dma_wait3A_112 = arith.constant 0 : i32
    %dma_wait3A_113 = tpu.memref_slice %arg4[%add3A, %dma_wait3A_109, %dma_wait3A_110, %dma_wait3A_111, %dma_wait3A_112] : memref<32x6x1x224x224xf32, #tpu.memory_space<hbm>> -> memref<1x1x1x224x224xf32, #tpu.memory_space<hbm>>
    %dma_wait3A_114 = tpu.memref_squeeze %dma_wait3A_113 : memref<1x1x1x224x224xf32, #tpu.memory_space<hbm>> -> memref<224x224xf32, #tpu.memory_space<hbm>>
    %dma_wait3A_115 = arith.constant 0 : i32
    %dma_wait3A_116 = arith.constant 0 : i32
    %dma_wait3A_117 = tpu.memref_slice %arg4[%add3A, %dma_wait3A_109, %dma_wait3A_110, %dma_wait3A_115, %dma_wait3A_116] : memref<32x6x1x224x224xf32, #tpu.memory_space<hbm>> -> memref<1x1x1x224x224xf32, #tpu.memory_space<hbm>>
    %dma_wait3A_118 = tpu.memref_squeeze %dma_wait3A_117 : memref<1x1x1x224x224xf32, #tpu.memory_space<hbm>> -> memref<224x224xf32, #tpu.memory_space<hbm>>
    tpu.wait_dma2 semaphore(%arg8 : memref<!tpu.dma_semaphore, #tpu.memory_space<semaphore_mem>>) src(%arg6 : memref<224x224xf32, #tpu.memory_space<vmem>>) dst(%dma_wait3A_118 : memref<224x224xf32, #tpu.memory_space<hbm>>)
    %dma_wait3A_119 = arith.constant 5 : i32
    %dma_wait3A_120 = arith.constant 0 : i32
    %dma_wait3A_121 = arith.constant 0 : i32
    %dma_wait3A_122 = arith.constant 0 : i32
    %dma_wait3A_123 = tpu.memref_slice %arg4[%add3A, %dma_wait3A_119, %dma_wait3A_120, %dma_wait3A_121, %dma_wait3A_122] : memref<32x6x1x224x224xf32, #tpu.memory_space<hbm>> -> memref<1x1x1x224x224xf32, #tpu.memory_space<hbm>>
    %dma_wait3A_124 = tpu.memref_squeeze %dma_wait3A_123 : memref<1x1x1x224x224xf32, #tpu.memory_space<hbm>> -> memref<224x224xf32, #tpu.memory_space<hbm>>
    %dma_wait3A_125 = arith.constant 0 : i32
    %dma_wait3A_126 = arith.constant 0 : i32
    %dma_wait3A_127 = tpu.memref_slice %arg4[%add3A, %dma_wait3A_119, %dma_wait3A_120, %dma_wait3A_125, %dma_wait3A_126] : memref<32x6x1x224x224xf32, #tpu.memory_space<hbm>> -> memref<1x1x1x224x224xf32, #tpu.memory_space<hbm>>
    %dma_wait3A_128 = tpu.memref_squeeze %dma_wait3A_127 : memref<1x1x1x224x224xf32, #tpu.memory_space<hbm>> -> memref<224x224xf32, #tpu.memory_space<hbm>>
    tpu.wait_dma2 semaphore(%arg8 : memref<!tpu.dma_semaphore, #tpu.memory_space<semaphore_mem>>) src(%arg6 : memref<224x224xf32, #tpu.memory_space<vmem>>) dst(%dma_wait3A_128 : memref<224x224xf32, #tpu.memory_space<hbm>>)
    %dma_start3A_129 = arith.constant 0 : i32
    %dma_start3A_130 = arith.constant 0 : i32
    %dma_start3A_131 = arith.constant 0 : i32
    %dma_start3A_132 = tpu.memref_slice %arg4[%add3A, %squeeze3A, %dma_start3A_129, %dma_start3A_130, %dma_start3A_131] : memref<32x6x1x224x224xf32, #tpu.memory_space<hbm>> -> memref<1x1x1x224x224xf32, #tpu.memory_space<hbm>>
    %dma_start3A_133 = tpu.memref_squeeze %dma_start3A_132 : memref<1x1x1x224x224xf32, #tpu.memory_space<hbm>> -> memref<224x224xf32, #tpu.memory_space<hbm>>
    %dma_start3A_134 = arith.constant 0 : i32
    %dma_start3A_135 = arith.constant 0 : i32
    %dma_start3A_136 = tpu.memref_slice %arg4[%add3A, %squeeze3A, %dma_start3A_129, %dma_start3A_134, %dma_start3A_135] : memref<32x6x1x224x224xf32, #tpu.memory_space<hbm>> -> memref<1x1x1x224x224xf32, #tpu.memory_space<hbm>>
    %dma_start3A_137 = tpu.memref_squeeze %dma_start3A_136 : memref<1x1x1x224x224xf32, #tpu.memory_space<hbm>> -> memref<224x224xf32, #tpu.memory_space<hbm>>
    tpu.enqueue_dma source(%arg7 : memref<224x224xf32, #tpu.memory_space<vmem>>) target(%dma_start3A_137 : memref<224x224xf32, #tpu.memory_space<hbm>>) target_semaphore(%arg8 : memref<!tpu.dma_semaphore, #tpu.memory_space<semaphore_mem>>)
    %dma_wait3A_138 = arith.constant 0 : i32
    %dma_wait3A_139 = arith.constant 0 : i32
    %dma_wait3A_140 = arith.constant 0 : i32
    %dma_wait3A_141 = tpu.memref_slice %arg4[%add3A, %squeeze3A, %dma_wait3A_138, %dma_wait3A_139, %dma_wait3A_140] : memref<32x6x1x224x224xf32, #tpu.memory_space<hbm>> -> memref<1x1x1x224x224xf32, #tpu.memory_space<hbm>>
    %dma_wait3A_142 = tpu.memref_squeeze %dma_wait3A_141 : memref<1x1x1x224x224xf32, #tpu.memory_space<hbm>> -> memref<224x224xf32, #tpu.memory_space<hbm>>
    %dma_wait3A_143 = arith.constant 0 : i32
    %dma_wait3A_144 = arith.constant 0 : i32
    %dma_wait3A_145 = tpu.memref_slice %arg4[%add3A, %squeeze3A, %dma_wait3A_138, %dma_wait3A_143, %dma_wait3A_144] : memref<32x6x1x224x224xf32, #tpu.memory_space<hbm>> -> memref<1x1x1x224x224xf32, #tpu.memory_space<hbm>>
    %dma_wait3A_146 = tpu.memref_squeeze %dma_wait3A_145 : memref<1x1x1x224x224xf32, #tpu.memory_space<hbm>> -> memref<224x224xf32, #tpu.memory_space<hbm>>
    tpu.wait_dma2 semaphore(%arg8 : memref<!tpu.dma_semaphore, #tpu.memory_space<semaphore_mem>>) src(%arg7 : memref<224x224xf32, #tpu.memory_space<vmem>>) dst(%dma_wait3A_146 : memref<224x224xf32, #tpu.memory_space<hbm>>)
    return
  }
}

module attributes {stable_mosaic.version = 14 : i64} {
  func.func @_patt_body(%arg0: i32, %arg1: memref<5x32xi32, #tpu.memory_space<smem>>, %arg2: memref<1x224x224xf32, #tpu.memory_space<vmem>>) attributes {dimension_semantics = [#tpu.dimension_semantics<arbitrary>], iteration_bounds = array<i64: 32>, scalar_prefetch = 0 : i64, scratch_operands = 0 : i64, tpu.core_type = #tpu.core_type<tc>, window_params = [{transform_indices = @transform_0, window_bounds = array<i64: 5, 32>}, {transform_indices = @transform_1, window_bounds = array<i64: 1, 224, 224>}]} {
    %get3A = arith.constant 1 : index
    %get3A_0 = arith.index_cast %arg0 : i32 to index
    %get3A_1 = memref.load %arg1[%get3A, %get3A_0] : memref<5x32xi32, #tpu.memory_space<smem>>
    %get3A_2 = arith.constant 2 : index
    %get3A_3 = arith.index_cast %arg0 : i32 to index
    %get3A_4 = memref.load %arg1[%get3A_2, %get3A_3] : memref<5x32xi32, #tpu.memory_space<smem>>
    %get3A_5 = arith.constant 3 : index
    %get3A_6 = arith.index_cast %arg0 : i32 to index
    %get3A_7 = memref.load %arg1[%get3A_5, %get3A_6] : memref<5x32xi32, #tpu.memory_space<smem>>
    %get3A_8 = arith.constant 4 : index
    %get3A_9 = arith.index_cast %arg0 : i32 to index
    %get3A_10 = memref.load %arg1[%get3A_8, %get3A_9] : memref<5x32xi32, #tpu.memory_space<smem>>
    %iota3A = tpu.iota {dimensions = array<i32: 1>} : vector<1x224x224xi32>
    %iota3A_11 = tpu.iota {dimensions = array<i32: 2>} : vector<1x224x224xi32>
    %ge3A = vector.broadcast %get3A_1 : i32 to vector<1x224x224xi32>
    %ge3A_12 = arith.cmpi sge, %iota3A, %ge3A : vector<1x224x224xi32>
    %lt3A = vector.broadcast %get3A_4 : i32 to vector<1x224x224xi32>
    %lt3A_13 = arith.cmpi slt, %iota3A, %lt3A : vector<1x224x224xi32>
    %and3A = arith.andi %ge3A_12, %lt3A_13 : vector<1x224x224xi1>
    %ge3A_14 = vector.broadcast %get3A_7 : i32 to vector<1x224x224xi32>
    %ge3A_15 = arith.cmpi sge, %iota3A_11, %ge3A_14 : vector<1x224x224xi32>
    %and3A_16 = arith.andi %and3A, %ge3A_15 : vector<1x224x224xi1>
    %lt3A_17 = vector.broadcast %get3A_10 : i32 to vector<1x224x224xi32>
    %lt3A_18 = arith.cmpi slt, %iota3A_11, %lt3A_17 : vector<1x224x224xi32>
    %and3A_19 = arith.andi %and3A_16, %lt3A_18 : vector<1x224x224xi1>
    %jit3A = arith.constant 0.000000e+00 : f32
    %jit3A_20 = arith.constant 1.000000e+00 : f32
    %broadcast_in_dim3A = vector.broadcast %jit3A : f32 to vector<1x224x224xf32>
    %broadcast_in_dim3A_21 = vector.broadcast %jit3A_20 : f32 to vector<1x224x224xf32>
    %select_n3A = arith.select %and3A_19, %broadcast_in_dim3A, %broadcast_in_dim3A_21 : vector<1x224x224xi1>, vector<1x224x224xf32>
    %swap3A = arith.constant 0 : index
    %swap3A_22 = arith.constant 0 : index
    %swap3A_23 = arith.constant 0 : index
    %swap3A_24 = vector.load %arg2[%swap3A, %swap3A_22, %swap3A_23] : memref<1x224x224xf32, #tpu.memory_space<vmem>>, vector<1x224x224xf32>
    tpu.vector_store %arg2[%swap3A, %swap3A_22, %swap3A_23], %select_n3A {strides = array<i32>} : memref<1x224x224xf32, #tpu.memory_space<vmem>>, vector<1x224x224xf32>,
    return
  }
  func.func @transform_0(%arg0: i32) -> (i32, i32) {
    %c0_i32 = arith.constant 0 : i32
    %c0_i32_0 = arith.constant 0 : i32
    %c0_i32_1 = arith.constant 0 : i32
    return %c0_i32, %c0_i32_0 : i32, i32
  }
  func.func @transform_1(%arg0: i32) -> (i32, i32, i32) {
    %c0_i32 = arith.constant 0 : i32
    %c0_i32_0 = arith.constant 0 : i32
    %c0_i32_1 = arith.constant 0 : i32
    return %arg0, %c0_i32, %c0_i32_0 : i32, i32, i32
  }
}

module attributes {stable_mosaic.version = 14 : i64} {
  func.func @_img_body(%arg0: i32, %arg1: memref<5x32xi32, #tpu.memory_space<smem>>, %arg2: memref<32x6x3x224x224xf32, #tpu.memory_space<any>>, %arg3: memref<32x6x3x224x224xf32, #tpu.memory_space<any>>, %arg4: memref<3x6x3x224x224xf32, #tpu.memory_space<vmem>>, %arg5: memref<3x!tpu.dma_semaphore, #tpu.memory_space<semaphore_mem>>, %arg6: memref<3x!tpu.dma_semaphore, #tpu.memory_space<semaphore_mem>>) attributes {dimension_semantics = [#tpu.dimension_semantics<arbitrary>], iteration_bounds = array<i64: 32>, scalar_prefetch = 0 : i64, scratch_operands = 3 : i64, tpu.core_type = #tpu.core_type<tc>, window_params = [{transform_indices = @transform_0, window_bounds = array<i64: 5, 32>}, {}, {}]} {
    %rem3A = arith.constant 3 : i32
    %rem3A_0 = arith.remsi %arg0, %rem3A : i32
    %add3A = arith.constant 1 : i32
    %add3A_1 = arith.addi %arg0, %add3A : i32
    %rem3A_2 = arith.constant 3 : i32
    %rem3A_3 = arith.remsi %add3A_1, %rem3A_2 : i32
    %eq3A = arith.constant 0 : i32
    %eq3A_4 = arith.cmpi eq, %arg0, %eq3A : i32
    %convert_element_type3A = arith.extui %eq3A_4 : i1 to i32
    %cond3A = arith.constant 0 : i32
    %cond3A_5 = arith.cmpi ne, %convert_element_type3A, %cond3A : i32
    scf.if %cond3A_5 {
      %dma_start3A_145 = arith.constant 0 : i32
      %dma_start3A_146 = arith.constant 0 : i32
      %dma_start3A_147 = arith.constant 0 : i32
      %dma_start3A_148 = tpu.memref_slice %arg5[%dma_start3A_147] : memref<3x!tpu.dma_semaphore, #tpu.memory_space<semaphore_mem>> -> memref<1x!tpu.dma_semaphore, #tpu.memory_space<semaphore_mem>>
      %dma_start3A_149 = tpu.memref_squeeze %dma_start3A_148 : memref<1x!tpu.dma_semaphore, #tpu.memory_space<semaphore_mem>> -> memref<!tpu.dma_semaphore, #tpu.memory_space<semaphore_mem>>
      %dma_start3A_150 = arith.constant 0 : i32
      %dma_start3A_151 = arith.constant 0 : i32
      %dma_start3A_152 = arith.constant 0 : i32
      %dma_start3A_153 = arith.constant 0 : i32
      %dma_start3A_154 = tpu.memref_slice %arg4[%dma_start3A_146, %dma_start3A_150, %dma_start3A_151, %dma_start3A_152, %dma_start3A_153] : memref<3x6x3x224x224xf32, #tpu.memory_space<vmem>> -> memref<1x2x3x224x224xf32, #tpu.memory_space<vmem>>
      %dma_start3A_155 = tpu.memref_squeeze %dma_start3A_154 : memref<1x2x3x224x224xf32, #tpu.memory_space<vmem>> -> memref<2x3x224x224xf32, #tpu.memory_space<vmem>>
      %dma_start3A_156 = arith.constant 0 : i32
      %dma_start3A_157 = arith.constant 0 : i32
      %dma_start3A_158 = arith.constant 0 : i32
      %dma_start3A_159 = arith.constant 0 : i32
      %dma_start3A_160 = tpu.memref_slice %arg2[%dma_start3A_145, %dma_start3A_156, %dma_start3A_157, %dma_start3A_158, %dma_start3A_159] : memref<32x6x3x224x224xf32, #tpu.memory_space<any>> -> memref<1x2x3x224x224xf32, #tpu.memory_space<any>>
      %dma_start3A_161 = tpu.memref_squeeze %dma_start3A_160 : memref<1x2x3x224x224xf32, #tpu.memory_space<any>> -> memref<2x3x224x224xf32, #tpu.memory_space<any>>
      tpu.enqueue_dma source(%dma_start3A_161 : memref<2x3x224x224xf32, #tpu.memory_space<any>>) target(%dma_start3A_155 : memref<2x3x224x224xf32, #tpu.memory_space<vmem>>) target_semaphore(%dma_start3A_149 : memref<!tpu.dma_semaphore, #tpu.memory_space<semaphore_mem>>)
      %dma_start3A_162 = arith.constant 0 : i32
      %dma_start3A_163 = arith.constant 0 : i32
      %dma_start3A_164 = arith.constant 0 : i32
      %dma_start3A_165 = tpu.memref_slice %arg5[%dma_start3A_164] : memref<3x!tpu.dma_semaphore, #tpu.memory_space<semaphore_mem>> -> memref<1x!tpu.dma_semaphore, #tpu.memory_space<semaphore_mem>>
      %dma_start3A_166 = tpu.memref_squeeze %dma_start3A_165 : memref<1x!tpu.dma_semaphore, #tpu.memory_space<semaphore_mem>> -> memref<!tpu.dma_semaphore, #tpu.memory_space<semaphore_mem>>
      %dma_start3A_167 = arith.constant 2 : i32
      %dma_start3A_168 = arith.constant 0 : i32
      %dma_start3A_169 = arith.constant 0 : i32
      %dma_start3A_170 = arith.constant 0 : i32
      %dma_start3A_171 = tpu.memref_slice %arg4[%dma_start3A_163, %dma_start3A_167, %dma_start3A_168, %dma_start3A_169, %dma_start3A_170] : memref<3x6x3x224x224xf32, #tpu.memory_space<vmem>> -> memref<1x2x3x224x224xf32, #tpu.memory_space<vmem>>
      %dma_start3A_172 = tpu.memref_squeeze %dma_start3A_171 : memref<1x2x3x224x224xf32, #tpu.memory_space<vmem>> -> memref<2x3x224x224xf32, #tpu.memory_space<vmem>>
      %dma_start3A_173 = arith.constant 2 : i32
      %dma_start3A_174 = arith.constant 0 : i32
      %dma_start3A_175 = arith.constant 0 : i32
      %dma_start3A_176 = arith.constant 0 : i32
      %dma_start3A_177 = tpu.memref_slice %arg2[%dma_start3A_162, %dma_start3A_173, %dma_start3A_174, %dma_start3A_175, %dma_start3A_176] : memref<32x6x3x224x224xf32, #tpu.memory_space<any>> -> memref<1x2x3x224x224xf32, #tpu.memory_space<any>>
      %dma_start3A_178 = tpu.memref_squeeze %dma_start3A_177 : memref<1x2x3x224x224xf32, #tpu.memory_space<any>> -> memref<2x3x224x224xf32, #tpu.memory_space<any>>
      tpu.enqueue_dma source(%dma_start3A_178 : memref<2x3x224x224xf32, #tpu.memory_space<any>>) target(%dma_start3A_172 : memref<2x3x224x224xf32, #tpu.memory_space<vmem>>) target_semaphore(%dma_start3A_166 : memref<!tpu.dma_semaphore, #tpu.memory_space<semaphore_mem>>)
      %dma_start3A_179 = arith.constant 0 : i32
      %dma_start3A_180 = arith.constant 0 : i32
      %dma_start3A_181 = arith.constant 0 : i32
      %dma_start3A_182 = tpu.memref_slice %arg5[%dma_start3A_181] : memref<3x!tpu.dma_semaphore, #tpu.memory_space<semaphore_mem>> -> memref<1x!tpu.dma_semaphore, #tpu.memory_space<semaphore_mem>>
      %dma_start3A_183 = tpu.memref_squeeze %dma_start3A_182 : memref<1x!tpu.dma_semaphore, #tpu.memory_space<semaphore_mem>> -> memref<!tpu.dma_semaphore, #tpu.memory_space<semaphore_mem>>
      %dma_start3A_184 = arith.constant 4 : i32
      %dma_start3A_185 = arith.constant 0 : i32
      %dma_start3A_186 = arith.constant 0 : i32
      %dma_start3A_187 = arith.constant 0 : i32
      %dma_start3A_188 = tpu.memref_slice %arg4[%dma_start3A_180, %dma_start3A_184, %dma_start3A_185, %dma_start3A_186, %dma_start3A_187] : memref<3x6x3x224x224xf32, #tpu.memory_space<vmem>> -> memref<1x2x3x224x224xf32, #tpu.memory_space<vmem>>
      %dma_start3A_189 = tpu.memref_squeeze %dma_start3A_188 : memref<1x2x3x224x224xf32, #tpu.memory_space<vmem>> -> memref<2x3x224x224xf32, #tpu.memory_space<vmem>>
      %dma_start3A_190 = arith.constant 4 : i32
      %dma_start3A_191 = arith.constant 0 : i32
      %dma_start3A_192 = arith.constant 0 : i32
      %dma_start3A_193 = arith.constant 0 : i32
      %dma_start3A_194 = tpu.memref_slice %arg2[%dma_start3A_179, %dma_start3A_190, %dma_start3A_191, %dma_start3A_192, %dma_start3A_193] : memref<32x6x3x224x224xf32, #tpu.memory_space<any>> -> memref<1x2x3x224x224xf32, #tpu.memory_space<any>>
      %dma_start3A_195 = tpu.memref_squeeze %dma_start3A_194 : memref<1x2x3x224x224xf32, #tpu.memory_space<any>> -> memref<2x3x224x224xf32, #tpu.memory_space<any>>
      tpu.enqueue_dma source(%dma_start3A_195 : memref<2x3x224x224xf32, #tpu.memory_space<any>>) target(%dma_start3A_189 : memref<2x3x224x224xf32, #tpu.memory_space<vmem>>) target_semaphore(%dma_start3A_183 : memref<!tpu.dma_semaphore, #tpu.memory_space<semaphore_mem>>)
    } else {
    }
    %ge3A = arith.constant 2 : i32
    %ge3A_6 = arith.cmpi sge, %arg0, %ge3A : i32
    %convert_element_type3A_7 = arith.extui %ge3A_6 : i1 to i32
    %cond3A_8 = arith.constant 0 : i32
    %cond3A_9 = arith.cmpi ne, %convert_element_type3A_7, %cond3A_8 : i32
    scf.if %cond3A_9 {
      %sub3A = arith.constant 2 : i32
      %sub3A_145 = arith.subi %arg0, %sub3A : i32
      %rem3A_146 = arith.constant 3 : i32
      %rem3A_147 = arith.remsi %sub3A_145, %rem3A_146 : i32
      %dma_wait3A_148 = tpu.memref_slice %arg6[%rem3A_147] : memref<3x!tpu.dma_semaphore, #tpu.memory_space<semaphore_mem>> -> memref<1x!tpu.dma_semaphore, #tpu.memory_space<semaphore_mem>>
      %dma_wait3A_149 = tpu.memref_squeeze %dma_wait3A_148 : memref<1x!tpu.dma_semaphore, #tpu.memory_space<semaphore_mem>> -> memref<!tpu.dma_semaphore, #tpu.memory_space<semaphore_mem>>
      %dma_wait3A_150 = arith.constant 0 : i32
      %dma_wait3A_151 = arith.constant 0 : i32
      %dma_wait3A_152 = arith.constant 0 : i32
      %dma_wait3A_153 = arith.constant 0 : i32
      %dma_wait3A_154 = tpu.memref_slice %arg3[%sub3A_145, %dma_wait3A_150, %dma_wait3A_151, %dma_wait3A_152, %dma_wait3A_153] : memref<32x6x3x224x224xf32, #tpu.memory_space<any>> -> memref<1x2x3x224x224xf32, #tpu.memory_space<any>>
      %dma_wait3A_155 = tpu.memref_squeeze %dma_wait3A_154 : memref<1x2x3x224x224xf32, #tpu.memory_space<any>> -> memref<2x3x224x224xf32, #tpu.memory_space<any>>
      %dma_wait3A_156 = arith.constant 0 : i32
      %dma_wait3A_157 = arith.constant 0 : i32
      %dma_wait3A_158 = arith.constant 0 : i32
      %dma_wait3A_159 = arith.constant 0 : i32
      %dma_wait3A_160 = tpu.memref_slice %arg4[%rem3A_147, %dma_wait3A_156, %dma_wait3A_157, %dma_wait3A_158, %dma_wait3A_159] : memref<3x6x3x224x224xf32, #tpu.memory_space<vmem>> -> memref<1x2x3x224x224xf32, #tpu.memory_space<vmem>>
      %dma_wait3A_161 = tpu.memref_squeeze %dma_wait3A_160 : memref<1x2x3x224x224xf32, #tpu.memory_space<vmem>> -> memref<2x3x224x224xf32, #tpu.memory_space<vmem>>
      tpu.wait_dma2 semaphore(%dma_wait3A_149 : memref<!tpu.dma_semaphore, #tpu.memory_space<semaphore_mem>>) src(%dma_wait3A_161 : memref<2x3x224x224xf32, #tpu.memory_space<vmem>>) dst(%dma_wait3A_155 : memref<2x3x224x224xf32, #tpu.memory_space<any>>)
      %dma_wait3A_162 = tpu.memref_slice %arg6[%rem3A_147] : memref<3x!tpu.dma_semaphore, #tpu.memory_space<semaphore_mem>> -> memref<1x!tpu.dma_semaphore, #tpu.memory_space<semaphore_mem>>
      %dma_wait3A_163 = tpu.memref_squeeze %dma_wait3A_162 : memref<1x!tpu.dma_semaphore, #tpu.memory_space<semaphore_mem>> -> memref<!tpu.dma_semaphore, #tpu.memory_space<semaphore_mem>>
      %dma_wait3A_164 = arith.constant 2 : i32
      %dma_wait3A_165 = arith.constant 0 : i32
      %dma_wait3A_166 = arith.constant 0 : i32
      %dma_wait3A_167 = arith.constant 0 : i32
      %dma_wait3A_168 = tpu.memref_slice %arg3[%sub3A_145, %dma_wait3A_164, %dma_wait3A_165, %dma_wait3A_166, %dma_wait3A_167] : memref<32x6x3x224x224xf32, #tpu.memory_space<any>> -> memref<1x2x3x224x224xf32, #tpu.memory_space<any>>
      %dma_wait3A_169 = tpu.memref_squeeze %dma_wait3A_168 : memref<1x2x3x224x224xf32, #tpu.memory_space<any>> -> memref<2x3x224x224xf32, #tpu.memory_space<any>>
      %dma_wait3A_170 = arith.constant 2 : i32
      %dma_wait3A_171 = arith.constant 0 : i32
      %dma_wait3A_172 = arith.constant 0 : i32
      %dma_wait3A_173 = arith.constant 0 : i32
      %dma_wait3A_174 = tpu.memref_slice %arg4[%rem3A_147, %dma_wait3A_170, %dma_wait3A_171, %dma_wait3A_172, %dma_wait3A_173] : memref<3x6x3x224x224xf32, #tpu.memory_space<vmem>> -> memref<1x2x3x224x224xf32, #tpu.memory_space<vmem>>
      %dma_wait3A_175 = tpu.memref_squeeze %dma_wait3A_174 : memref<1x2x3x224x224xf32, #tpu.memory_space<vmem>> -> memref<2x3x224x224xf32, #tpu.memory_space<vmem>>
      tpu.wait_dma2 semaphore(%dma_wait3A_163 : memref<!tpu.dma_semaphore, #tpu.memory_space<semaphore_mem>>) src(%dma_wait3A_175 : memref<2x3x224x224xf32, #tpu.memory_space<vmem>>) dst(%dma_wait3A_169 : memref<2x3x224x224xf32, #tpu.memory_space<any>>)
      %dma_wait3A_176 = tpu.memref_slice %arg6[%rem3A_147] : memref<3x!tpu.dma_semaphore, #tpu.memory_space<semaphore_mem>> -> memref<1x!tpu.dma_semaphore, #tpu.memory_space<semaphore_mem>>
      %dma_wait3A_177 = tpu.memref_squeeze %dma_wait3A_176 : memref<1x!tpu.dma_semaphore, #tpu.memory_space<semaphore_mem>> -> memref<!tpu.dma_semaphore, #tpu.memory_space<semaphore_mem>>
      %dma_wait3A_178 = arith.constant 4 : i32
      %dma_wait3A_179 = arith.constant 0 : i32
      %dma_wait3A_180 = arith.constant 0 : i32
      %dma_wait3A_181 = arith.constant 0 : i32
      %dma_wait3A_182 = tpu.memref_slice %arg3[%sub3A_145, %dma_wait3A_178, %dma_wait3A_179, %dma_wait3A_180, %dma_wait3A_181] : memref<32x6x3x224x224xf32, #tpu.memory_space<any>> -> memref<1x2x3x224x224xf32, #tpu.memory_space<any>>
      %dma_wait3A_183 = tpu.memref_squeeze %dma_wait3A_182 : memref<1x2x3x224x224xf32, #tpu.memory_space<any>> -> memref<2x3x224x224xf32, #tpu.memory_space<any>>
      %dma_wait3A_184 = arith.constant 4 : i32
      %dma_wait3A_185 = arith.constant 0 : i32
      %dma_wait3A_186 = arith.constant 0 : i32
      %dma_wait3A_187 = arith.constant 0 : i32
      %dma_wait3A_188 = tpu.memref_slice %arg4[%rem3A_147, %dma_wait3A_184, %dma_wait3A_185, %dma_wait3A_186, %dma_wait3A_187] : memref<3x6x3x224x224xf32, #tpu.memory_space<vmem>> -> memref<1x2x3x224x224xf32, #tpu.memory_space<vmem>>
      %dma_wait3A_189 = tpu.memref_squeeze %dma_wait3A_188 : memref<1x2x3x224x224xf32, #tpu.memory_space<vmem>> -> memref<2x3x224x224xf32, #tpu.memory_space<vmem>>
      tpu.wait_dma2 semaphore(%dma_wait3A_177 : memref<!tpu.dma_semaphore, #tpu.memory_space<semaphore_mem>>) src(%dma_wait3A_189 : memref<2x3x224x224xf32, #tpu.memory_space<vmem>>) dst(%dma_wait3A_183 : memref<2x3x224x224xf32, #tpu.memory_space<any>>)
    } else {
    }
    %add3A_10 = arith.constant 1 : i32
    %add3A_11 = arith.addi %arg0, %add3A_10 : i32
    %lt3A = arith.constant 32 : i32
    %lt3A_12 = arith.cmpi slt, %add3A_11, %lt3A : i32
    %convert_element_type3A_13 = arith.extui %lt3A_12 : i1 to i32
    %cond3A_14 = arith.constant 0 : i32
    %cond3A_15 = arith.cmpi ne, %convert_element_type3A_13, %cond3A_14 : i32
    scf.if %cond3A_15 {
      %add3A_145 = arith.constant 1 : i32
      %add3A_146 = arith.addi %arg0, %add3A_145 : i32
      %dma_start3A_147 = tpu.memref_slice %arg5[%rem3A_3] : memref<3x!tpu.dma_semaphore, #tpu.memory_space<semaphore_mem>> -> memref<1x!tpu.dma_semaphore, #tpu.memory_space<semaphore_mem>>
      %dma_start3A_148 = tpu.memref_squeeze %dma_start3A_147 : memref<1x!tpu.dma_semaphore, #tpu.memory_space<semaphore_mem>> -> memref<!tpu.dma_semaphore, #tpu.memory_space<semaphore_mem>>
      %dma_start3A_149 = arith.constant 0 : i32
      %dma_start3A_150 = arith.constant 0 : i32
      %dma_start3A_151 = arith.constant 0 : i32
      %dma_start3A_152 = arith.constant 0 : i32
      %dma_start3A_153 = tpu.memref_slice %arg4[%rem3A_3, %dma_start3A_149, %dma_start3A_150, %dma_start3A_151, %dma_start3A_152] : memref<3x6x3x224x224xf32, #tpu.memory_space<vmem>> -> memref<1x2x3x224x224xf32, #tpu.memory_space<vmem>>
      %dma_start3A_154 = tpu.memref_squeeze %dma_start3A_153 : memref<1x2x3x224x224xf32, #tpu.memory_space<vmem>> -> memref<2x3x224x224xf32, #tpu.memory_space<vmem>>
      %dma_start3A_155 = arith.constant 0 : i32
      %dma_start3A_156 = arith.constant 0 : i32
      %dma_start3A_157 = arith.constant 0 : i32
      %dma_start3A_158 = arith.constant 0 : i32
      %dma_start3A_159 = tpu.memref_slice %arg2[%add3A_146, %dma_start3A_155, %dma_start3A_156, %dma_start3A_157, %dma_start3A_158] : memref<32x6x3x224x224xf32, #tpu.memory_space<any>> -> memref<1x2x3x224x224xf32, #tpu.memory_space<any>>
      %dma_start3A_160 = tpu.memref_squeeze %dma_start3A_159 : memref<1x2x3x224x224xf32, #tpu.memory_space<any>> -> memref<2x3x224x224xf32, #tpu.memory_space<any>>
      tpu.enqueue_dma source(%dma_start3A_160 : memref<2x3x224x224xf32, #tpu.memory_space<any>>) target(%dma_start3A_154 : memref<2x3x224x224xf32, #tpu.memory_space<vmem>>) target_semaphore(%dma_start3A_148 : memref<!tpu.dma_semaphore, #tpu.memory_space<semaphore_mem>>)
      %add3A_161 = arith.constant 1 : i32
      %add3A_162 = arith.addi %arg0, %add3A_161 : i32
      %dma_start3A_163 = tpu.memref_slice %arg5[%rem3A_3] : memref<3x!tpu.dma_semaphore, #tpu.memory_space<semaphore_mem>> -> memref<1x!tpu.dma_semaphore, #tpu.memory_space<semaphore_mem>>
      %dma_start3A_164 = tpu.memref_squeeze %dma_start3A_163 : memref<1x!tpu.dma_semaphore, #tpu.memory_space<semaphore_mem>> -> memref<!tpu.dma_semaphore, #tpu.memory_space<semaphore_mem>>
      %dma_start3A_165 = arith.constant 2 : i32
      %dma_start3A_166 = arith.constant 0 : i32
      %dma_start3A_167 = arith.constant 0 : i32
      %dma_start3A_168 = arith.constant 0 : i32
      %dma_start3A_169 = tpu.memref_slice %arg4[%rem3A_3, %dma_start3A_165, %dma_start3A_166, %dma_start3A_167, %dma_start3A_168] : memref<3x6x3x224x224xf32, #tpu.memory_space<vmem>> -> memref<1x2x3x224x224xf32, #tpu.memory_space<vmem>>
      %dma_start3A_170 = tpu.memref_squeeze %dma_start3A_169 : memref<1x2x3x224x224xf32, #tpu.memory_space<vmem>> -> memref<2x3x224x224xf32, #tpu.memory_space<vmem>>
      %dma_start3A_171 = arith.constant 2 : i32
      %dma_start3A_172 = arith.constant 0 : i32
      %dma_start3A_173 = arith.constant 0 : i32
      %dma_start3A_174 = arith.constant 0 : i32
      %dma_start3A_175 = tpu.memref_slice %arg2[%add3A_162, %dma_start3A_171, %dma_start3A_172, %dma_start3A_173, %dma_start3A_174] : memref<32x6x3x224x224xf32, #tpu.memory_space<any>> -> memref<1x2x3x224x224xf32, #tpu.memory_space<any>>
      %dma_start3A_176 = tpu.memref_squeeze %dma_start3A_175 : memref<1x2x3x224x224xf32, #tpu.memory_space<any>> -> memref<2x3x224x224xf32, #tpu.memory_space<any>>
      tpu.enqueue_dma source(%dma_start3A_176 : memref<2x3x224x224xf32, #tpu.memory_space<any>>) target(%dma_start3A_170 : memref<2x3x224x224xf32, #tpu.memory_space<vmem>>) target_semaphore(%dma_start3A_164 : memref<!tpu.dma_semaphore, #tpu.memory_space<semaphore_mem>>)
      %add3A_177 = arith.constant 1 : i32
      %add3A_178 = arith.addi %arg0, %add3A_177 : i32
      %dma_start3A_179 = tpu.memref_slice %arg5[%rem3A_3] : memref<3x!tpu.dma_semaphore, #tpu.memory_space<semaphore_mem>> -> memref<1x!tpu.dma_semaphore, #tpu.memory_space<semaphore_mem>>
      %dma_start3A_180 = tpu.memref_squeeze %dma_start3A_179 : memref<1x!tpu.dma_semaphore, #tpu.memory_space<semaphore_mem>> -> memref<!tpu.dma_semaphore, #tpu.memory_space<semaphore_mem>>
      %dma_start3A_181 = arith.constant 4 : i32
      %dma_start3A_182 = arith.constant 0 : i32
      %dma_start3A_183 = arith.constant 0 : i32
      %dma_start3A_184 = arith.constant 0 : i32
      %dma_start3A_185 = tpu.memref_slice %arg4[%rem3A_3, %dma_start3A_181, %dma_start3A_182, %dma_start3A_183, %dma_start3A_184] : memref<3x6x3x224x224xf32, #tpu.memory_space<vmem>> -> memref<1x2x3x224x224xf32, #tpu.memory_space<vmem>>
      %dma_start3A_186 = tpu.memref_squeeze %dma_start3A_185 : memref<1x2x3x224x224xf32, #tpu.memory_space<vmem>> -> memref<2x3x224x224xf32, #tpu.memory_space<vmem>>
      %dma_start3A_187 = arith.constant 4 : i32
      %dma_start3A_188 = arith.constant 0 : i32
      %dma_start3A_189 = arith.constant 0 : i32
      %dma_start3A_190 = arith.constant 0 : i32
      %dma_start3A_191 = tpu.memref_slice %arg2[%add3A_178, %dma_start3A_187, %dma_start3A_188, %dma_start3A_189, %dma_start3A_190] : memref<32x6x3x224x224xf32, #tpu.memory_space<any>> -> memref<1x2x3x224x224xf32, #tpu.memory_space<any>>
      %dma_start3A_192 = tpu.memref_squeeze %dma_start3A_191 : memref<1x2x3x224x224xf32, #tpu.memory_space<any>> -> memref<2x3x224x224xf32, #tpu.memory_space<any>>
      tpu.enqueue_dma source(%dma_start3A_192 : memref<2x3x224x224xf32, #tpu.memory_space<any>>) target(%dma_start3A_186 : memref<2x3x224x224xf32, #tpu.memory_space<vmem>>) target_semaphore(%dma_start3A_180 : memref<!tpu.dma_semaphore, #tpu.memory_space<semaphore_mem>>)
    } else {
    }
    %get3A = arith.constant 0 : index
    %get3A_16 = arith.index_cast %arg0 : i32 to index
    %get3A_17 = memref.load %arg1[%get3A, %get3A_16] : memref<5x32xi32, #tpu.memory_space<smem>>
    %get3A_18 = arith.constant 1 : index
    %get3A_19 = arith.index_cast %arg0 : i32 to index
    %get3A_20 = memref.load %arg1[%get3A_18, %get3A_19] : memref<5x32xi32, #tpu.memory_space<smem>>
    %get3A_21 = arith.constant 2 : index
    %get3A_22 = arith.index_cast %arg0 : i32 to index
    %get3A_23 = memref.load %arg1[%get3A_21, %get3A_22] : memref<5x32xi32, #tpu.memory_space<smem>>
    %get3A_24 = arith.constant 3 : index
    %get3A_25 = arith.index_cast %arg0 : i32 to index
    %get3A_26 = memref.load %arg1[%get3A_24, %get3A_25] : memref<5x32xi32, #tpu.memory_space<smem>>
    %get3A_27 = arith.constant 4 : index
    %get3A_28 = arith.index_cast %arg0 : i32 to index
    %get3A_29 = memref.load %arg1[%get3A_27, %get3A_28] : memref<5x32xi32, #tpu.memory_space<smem>>
    %iota3A = tpu.iota {dimensions = array<i32: 0>} : vector<224x224xi32>
    %iota3A_30 = tpu.iota {dimensions = array<i32: 1>} : vector<224x224xi32>
    %ge3A_31 = vector.broadcast %get3A_20 : i32 to vector<224x224xi32>
    %ge3A_32 = arith.cmpi sge, %iota3A, %ge3A_31 : vector<224x224xi32>
    %lt3A_33 = vector.broadcast %get3A_23 : i32 to vector<224x224xi32>
    %lt3A_34 = arith.cmpi slt, %iota3A, %lt3A_33 : vector<224x224xi32>
    %and3A = arith.andi %ge3A_32, %lt3A_34 : vector<224x224xi1>
    %ge3A_35 = vector.broadcast %get3A_26 : i32 to vector<224x224xi32>
    %ge3A_36 = arith.cmpi sge, %iota3A_30, %ge3A_35 : vector<224x224xi32>
    %and3A_37 = arith.andi %and3A, %ge3A_36 : vector<224x224xi1>
    %lt3A_38 = vector.broadcast %get3A_29 : i32 to vector<224x224xi32>
    %lt3A_39 = arith.cmpi slt, %iota3A_30, %lt3A_38 : vector<224x224xi32>
    %and3A_40 = arith.andi %and3A_37, %lt3A_39 : vector<224x224xi1>
    %dma_wait3A = tpu.memref_slice %arg5[%rem3A_0] : memref<3x!tpu.dma_semaphore, #tpu.memory_space<semaphore_mem>> -> memref<1x!tpu.dma_semaphore, #tpu.memory_space<semaphore_mem>>
    %dma_wait3A_41 = tpu.memref_squeeze %dma_wait3A : memref<1x!tpu.dma_semaphore, #tpu.memory_space<semaphore_mem>> -> memref<!tpu.dma_semaphore, #tpu.memory_space<semaphore_mem>>
    %dma_wait3A_42 = arith.constant 0 : i32
    %dma_wait3A_43 = arith.constant 0 : i32
    %dma_wait3A_44 = arith.constant 0 : i32
    %dma_wait3A_45 = arith.constant 0 : i32
    %dma_wait3A_46 = tpu.memref_slice %arg4[%rem3A_0, %dma_wait3A_42, %dma_wait3A_43, %dma_wait3A_44, %dma_wait3A_45] : memref<3x6x3x224x224xf32, #tpu.memory_space<vmem>> -> memref<1x2x3x224x224xf32, #tpu.memory_space<vmem>>
    %dma_wait3A_47 = tpu.memref_squeeze %dma_wait3A_46 : memref<1x2x3x224x224xf32, #tpu.memory_space<vmem>> -> memref<2x3x224x224xf32, #tpu.memory_space<vmem>>
    %dma_wait3A_48 = arith.constant 0 : i32
    %dma_wait3A_49 = arith.constant 0 : i32
    %dma_wait3A_50 = arith.constant 0 : i32
    %dma_wait3A_51 = arith.constant 0 : i32
    %dma_wait3A_52 = tpu.memref_slice %arg2[%arg0, %dma_wait3A_48, %dma_wait3A_49, %dma_wait3A_50, %dma_wait3A_51] : memref<32x6x3x224x224xf32, #tpu.memory_space<any>> -> memref<1x2x3x224x224xf32, #tpu.memory_space<any>>
    %dma_wait3A_53 = tpu.memref_squeeze %dma_wait3A_52 : memref<1x2x3x224x224xf32, #tpu.memory_space<any>> -> memref<2x3x224x224xf32, #tpu.memory_space<any>>
    tpu.wait_dma2 semaphore(%dma_wait3A_41 : memref<!tpu.dma_semaphore, #tpu.memory_space<semaphore_mem>>) src(%dma_wait3A_53 : memref<2x3x224x224xf32, #tpu.memory_space<any>>) dst(%dma_wait3A_47 : memref<2x3x224x224xf32, #tpu.memory_space<vmem>>)
    %dma_wait3A_54 = tpu.memref_slice %arg5[%rem3A_0] : memref<3x!tpu.dma_semaphore, #tpu.memory_space<semaphore_mem>> -> memref<1x!tpu.dma_semaphore, #tpu.memory_space<semaphore_mem>>
    %dma_wait3A_55 = tpu.memref_squeeze %dma_wait3A_54 : memref<1x!tpu.dma_semaphore, #tpu.memory_space<semaphore_mem>> -> memref<!tpu.dma_semaphore, #tpu.memory_space<semaphore_mem>>
    %dma_wait3A_56 = arith.constant 2 : i32
    %dma_wait3A_57 = arith.constant 0 : i32
    %dma_wait3A_58 = arith.constant 0 : i32
    %dma_wait3A_59 = arith.constant 0 : i32
    %dma_wait3A_60 = tpu.memref_slice %arg4[%rem3A_0, %dma_wait3A_56, %dma_wait3A_57, %dma_wait3A_58, %dma_wait3A_59] : memref<3x6x3x224x224xf32, #tpu.memory_space<vmem>> -> memref<1x2x3x224x224xf32, #tpu.memory_space<vmem>>
    %dma_wait3A_61 = tpu.memref_squeeze %dma_wait3A_60 : memref<1x2x3x224x224xf32, #tpu.memory_space<vmem>> -> memref<2x3x224x224xf32, #tpu.memory_space<vmem>>
    %dma_wait3A_62 = arith.constant 2 : i32
    %dma_wait3A_63 = arith.constant 0 : i32
    %dma_wait3A_64 = arith.constant 0 : i32
    %dma_wait3A_65 = arith.constant 0 : i32
    %dma_wait3A_66 = tpu.memref_slice %arg2[%arg0, %dma_wait3A_62, %dma_wait3A_63, %dma_wait3A_64, %dma_wait3A_65] : memref<32x6x3x224x224xf32, #tpu.memory_space<any>> -> memref<1x2x3x224x224xf32, #tpu.memory_space<any>>
    %dma_wait3A_67 = tpu.memref_squeeze %dma_wait3A_66 : memref<1x2x3x224x224xf32, #tpu.memory_space<any>> -> memref<2x3x224x224xf32, #tpu.memory_space<any>>
    tpu.wait_dma2 semaphore(%dma_wait3A_55 : memref<!tpu.dma_semaphore, #tpu.memory_space<semaphore_mem>>) src(%dma_wait3A_67 : memref<2x3x224x224xf32, #tpu.memory_space<any>>) dst(%dma_wait3A_61 : memref<2x3x224x224xf32, #tpu.memory_space<vmem>>)
    %dma_wait3A_68 = tpu.memref_slice %arg5[%rem3A_0] : memref<3x!tpu.dma_semaphore, #tpu.memory_space<semaphore_mem>> -> memref<1x!tpu.dma_semaphore, #tpu.memory_space<semaphore_mem>>
    %dma_wait3A_69 = tpu.memref_squeeze %dma_wait3A_68 : memref<1x!tpu.dma_semaphore, #tpu.memory_space<semaphore_mem>> -> memref<!tpu.dma_semaphore, #tpu.memory_space<semaphore_mem>>
    %dma_wait3A_70 = arith.constant 4 : i32
    %dma_wait3A_71 = arith.constant 0 : i32
    %dma_wait3A_72 = arith.constant 0 : i32
    %dma_wait3A_73 = arith.constant 0 : i32
    %dma_wait3A_74 = tpu.memref_slice %arg4[%rem3A_0, %dma_wait3A_70, %dma_wait3A_71, %dma_wait3A_72, %dma_wait3A_73] : memref<3x6x3x224x224xf32, #tpu.memory_space<vmem>> -> memref<1x2x3x224x224xf32, #tpu.memory_space<vmem>>
    %dma_wait3A_75 = tpu.memref_squeeze %dma_wait3A_74 : memref<1x2x3x224x224xf32, #tpu.memory_space<vmem>> -> memref<2x3x224x224xf32, #tpu.memory_space<vmem>>
    %dma_wait3A_76 = arith.constant 4 : i32
    %dma_wait3A_77 = arith.constant 0 : i32
    %dma_wait3A_78 = arith.constant 0 : i32
    %dma_wait3A_79 = arith.constant 0 : i32
    %dma_wait3A_80 = tpu.memref_slice %arg2[%arg0, %dma_wait3A_76, %dma_wait3A_77, %dma_wait3A_78, %dma_wait3A_79] : memref<32x6x3x224x224xf32, #tpu.memory_space<any>> -> memref<1x2x3x224x224xf32, #tpu.memory_space<any>>
    %dma_wait3A_81 = tpu.memref_squeeze %dma_wait3A_80 : memref<1x2x3x224x224xf32, #tpu.memory_space<any>> -> memref<2x3x224x224xf32, #tpu.memory_space<any>>
    tpu.wait_dma2 semaphore(%dma_wait3A_69 : memref<!tpu.dma_semaphore, #tpu.memory_space<semaphore_mem>>) src(%dma_wait3A_81 : memref<2x3x224x224xf32, #tpu.memory_space<any>>) dst(%dma_wait3A_75 : memref<2x3x224x224xf32, #tpu.memory_space<vmem>>)
    %broadcast_in_dim3A = vector.shape_cast %and3A_40 : vector<224x224xi1> to vector<1x224x224xi1>
    %get3A_82 = arith.index_cast %rem3A_0 : i32 to index
    %get3A_83 = arith.index_cast %get3A_17 : i32 to index
    %get3A_84 = arith.constant 0 : index
    %get3A_85 = arith.constant 0 : index
    %get3A_86 = arith.constant 0 : index
    %get3A_87 = vector.load %arg4[%get3A_82, %get3A_83, %get3A_84, %get3A_85, %get3A_86] : memref<3x6x3x224x224xf32, #tpu.memory_space<vmem>>, vector<1x1x3x224x224xf32>
    %get3A_88 = vector.shape_cast %get3A_87 : vector<1x1x3x224x224xf32> to vector<3x224x224xf32>
    %jit3A = arith.constant 0.000000e+00 : f32
    %broadcast_in_dim3A_89 = vector.shape_cast %broadcast_in_dim3A : vector<1x224x224xi1> to vector<1x224x224xi1>
    %broadcast_in_dim3A_90 = vector.broadcast %broadcast_in_dim3A_89 : vector<1x224x224xi1> to vector<3x224x224xi1>
    %broadcast_in_dim3A_91 = vector.broadcast %jit3A : f32 to vector<3x224x224xf32>
    %select_n3A = arith.select %broadcast_in_dim3A_90, %broadcast_in_dim3A_91, %get3A_88 : vector<3x224x224xi1>, vector<3x224x224xf32>
    %swap3A = arith.index_cast %rem3A_0 : i32 to index
    %swap3A_92 = arith.index_cast %get3A_17 : i32 to index
    %swap3A_93 = arith.constant 0 : index
    %swap3A_94 = arith.constant 0 : index
    %swap3A_95 = arith.constant 0 : index
    %swap3A_96 = vector.load %arg4[%swap3A, %swap3A_92, %swap3A_93, %swap3A_94, %swap3A_95] : memref<3x6x3x224x224xf32, #tpu.memory_space<vmem>>, vector<1x1x3x224x224xf32>
    %swap3A_97 = vector.shape_cast %swap3A_96 : vector<1x1x3x224x224xf32> to vector<3x224x224xf32>
    %swap3A_98 = vector.shape_cast %select_n3A : vector<3x224x224xf32> to vector<1x1x3x224x224xf32>
    tpu.vector_store %arg4[%swap3A, %swap3A_92, %swap3A_93, %swap3A_94, %swap3A_95], %swap3A_98 {strides = array<i32>} : memref<3x6x3x224x224xf32, #tpu.memory_space<vmem>>, vector<1x1x3x224x224xf32>,
    %dma_start3A = tpu.memref_slice %arg6[%rem3A_0] : memref<3x!tpu.dma_semaphore, #tpu.memory_space<semaphore_mem>> -> memref<1x!tpu.dma_semaphore, #tpu.memory_space<semaphore_mem>>
    %dma_start3A_99 = tpu.memref_squeeze %dma_start3A : memref<1x!tpu.dma_semaphore, #tpu.memory_space<semaphore_mem>> -> memref<!tpu.dma_semaphore, #tpu.memory_space<semaphore_mem>>
    %dma_start3A_100 = arith.constant 0 : i32
    %dma_start3A_101 = arith.constant 0 : i32
    %dma_start3A_102 = arith.constant 0 : i32
    %dma_start3A_103 = arith.constant 0 : i32
    %dma_start3A_104 = tpu.memref_slice %arg3[%arg0, %dma_start3A_100, %dma_start3A_101, %dma_start3A_102, %dma_start3A_103] : memref<32x6x3x224x224xf32, #tpu.memory_space<any>> -> memref<1x2x3x224x224xf32, #tpu.memory_space<any>>
    %dma_start3A_105 = tpu.memref_squeeze %dma_start3A_104 : memref<1x2x3x224x224xf32, #tpu.memory_space<any>> -> memref<2x3x224x224xf32, #tpu.memory_space<any>>
    %dma_start3A_106 = arith.constant 0 : i32
    %dma_start3A_107 = arith.constant 0 : i32
    %dma_start3A_108 = arith.constant 0 : i32
    %dma_start3A_109 = arith.constant 0 : i32
    %dma_start3A_110 = tpu.memref_slice %arg4[%rem3A_0, %dma_start3A_106, %dma_start3A_107, %dma_start3A_108, %dma_start3A_109] : memref<3x6x3x224x224xf32, #tpu.memory_space<vmem>> -> memref<1x2x3x224x224xf32, #tpu.memory_space<vmem>>
    %dma_start3A_111 = tpu.memref_squeeze %dma_start3A_110 : memref<1x2x3x224x224xf32, #tpu.memory_space<vmem>> -> memref<2x3x224x224xf32, #tpu.memory_space<vmem>>
    tpu.enqueue_dma source(%dma_start3A_111 : memref<2x3x224x224xf32, #tpu.memory_space<vmem>>) target(%dma_start3A_105 : memref<2x3x224x224xf32, #tpu.memory_space<any>>) target_semaphore(%dma_start3A_99 : memref<!tpu.dma_semaphore, #tpu.memory_space<semaphore_mem>>)
    %dma_start3A_112 = tpu.memref_slice %arg6[%rem3A_0] : memref<3x!tpu.dma_semaphore, #tpu.memory_space<semaphore_mem>> -> memref<1x!tpu.dma_semaphore, #tpu.memory_space<semaphore_mem>>
    %dma_start3A_113 = tpu.memref_squeeze %dma_start3A_112 : memref<1x!tpu.dma_semaphore, #tpu.memory_space<semaphore_mem>> -> memref<!tpu.dma_semaphore, #tpu.memory_space<semaphore_mem>>
    %dma_start3A_114 = arith.constant 2 : i32
    %dma_start3A_115 = arith.constant 0 : i32
    %dma_start3A_116 = arith.constant 0 : i32
    %dma_start3A_117 = arith.constant 0 : i32
    %dma_start3A_118 = tpu.memref_slice %arg3[%arg0, %dma_start3A_114, %dma_start3A_115, %dma_start3A_116, %dma_start3A_117] : memref<32x6x3x224x224xf32, #tpu.memory_space<any>> -> memref<1x2x3x224x224xf32, #tpu.memory_space<any>>
    %dma_start3A_119 = tpu.memref_squeeze %dma_start3A_118 : memref<1x2x3x224x224xf32, #tpu.memory_space<any>> -> memref<2x3x224x224xf32, #tpu.memory_space<any>>
    %dma_start3A_120 = arith.constant 2 : i32
    %dma_start3A_121 = arith.constant 0 : i32
    %dma_start3A_122 = arith.constant 0 : i32
    %dma_start3A_123 = arith.constant 0 : i32
    %dma_start3A_124 = tpu.memref_slice %arg4[%rem3A_0, %dma_start3A_120, %dma_start3A_121, %dma_start3A_122, %dma_start3A_123] : memref<3x6x3x224x224xf32, #tpu.memory_space<vmem>> -> memref<1x2x3x224x224xf32, #tpu.memory_space<vmem>>
    %dma_start3A_125 = tpu.memref_squeeze %dma_start3A_124 : memref<1x2x3x224x224xf32, #tpu.memory_space<vmem>> -> memref<2x3x224x224xf32, #tpu.memory_space<vmem>>
    tpu.enqueue_dma source(%dma_start3A_125 : memref<2x3x224x224xf32, #tpu.memory_space<vmem>>) target(%dma_start3A_119 : memref<2x3x224x224xf32, #tpu.memory_space<any>>) target_semaphore(%dma_start3A_113 : memref<!tpu.dma_semaphore, #tpu.memory_space<semaphore_mem>>)
    %dma_start3A_126 = tpu.memref_slice %arg6[%rem3A_0] : memref<3x!tpu.dma_semaphore, #tpu.memory_space<semaphore_mem>> -> memref<1x!tpu.dma_semaphore, #tpu.memory_space<semaphore_mem>>
    %dma_start3A_127 = tpu.memref_squeeze %dma_start3A_126 : memref<1x!tpu.dma_semaphore, #tpu.memory_space<semaphore_mem>> -> memref<!tpu.dma_semaphore, #tpu.memory_space<semaphore_mem>>
    %dma_start3A_128 = arith.constant 4 : i32
    %dma_start3A_129 = arith.constant 0 : i32
    %dma_start3A_130 = arith.constant 0 : i32
    %dma_start3A_131 = arith.constant 0 : i32
    %dma_start3A_132 = tpu.memref_slice %arg3[%arg0, %dma_start3A_128, %dma_start3A_129, %dma_start3A_130, %dma_start3A_131] : memref<32x6x3x224x224xf32, #tpu.memory_space<any>> -> memref<1x2x3x224x224xf32, #tpu.memory_space<any>>
    %dma_start3A_133 = tpu.memref_squeeze %dma_start3A_132 : memref<1x2x3x224x224xf32, #tpu.memory_space<any>> -> memref<2x3x224x224xf32, #tpu.memory_space<any>>
    %dma_start3A_134 = arith.constant 4 : i32
    %dma_start3A_135 = arith.constant 0 : i32
    %dma_start3A_136 = arith.constant 0 : i32
    %dma_start3A_137 = arith.constant 0 : i32
    %dma_start3A_138 = tpu.memref_slice %arg4[%rem3A_0, %dma_start3A_134, %dma_start3A_135, %dma_start3A_136, %dma_start3A_137] : memref<3x6x3x224x224xf32, #tpu.memory_space<vmem>> -> memref<1x2x3x224x224xf32, #tpu.memory_space<vmem>>
    %dma_start3A_139 = tpu.memref_squeeze %dma_start3A_138 : memref<1x2x3x224x224xf32, #tpu.memory_space<vmem>> -> memref<2x3x224x224xf32, #tpu.memory_space<vmem>>
    tpu.enqueue_dma source(%dma_start3A_139 : memref<2x3x224x224xf32, #tpu.memory_space<vmem>>) target(%dma_start3A_133 : memref<2x3x224x224xf32, #tpu.memory_space<any>>) target_semaphore(%dma_start3A_127 : memref<!tpu.dma_semaphore, #tpu.memory_space<semaphore_mem>>)
    %eq3A_140 = arith.constant 31 : i32
    %eq3A_141 = arith.cmpi eq, %arg0, %eq3A_140 : i32
    %convert_element_type3A_142 = arith.extui %eq3A_141 : i1 to i32
    %cond3A_143 = arith.constant 0 : i32
    %cond3A_144 = arith.cmpi ne, %convert_element_type3A_142, %cond3A_143 : i32
    scf.if %cond3A_144 {
      %sub3A = arith.constant 0 : i32
      %sub3A_145 = arith.subi %arg0, %sub3A : i32
      %rem3A_146 = arith.constant 3 : i32
      %rem3A_147 = arith.remsi %sub3A_145, %rem3A_146 : i32
      %dma_wait3A_148 = tpu.memref_slice %arg6[%rem3A_147] : memref<3x!tpu.dma_semaphore, #tpu.memory_space<semaphore_mem>> -> memref<1x!tpu.dma_semaphore, #tpu.memory_space<semaphore_mem>>
      %dma_wait3A_149 = tpu.memref_squeeze %dma_wait3A_148 : memref<1x!tpu.dma_semaphore, #tpu.memory_space<semaphore_mem>> -> memref<!tpu.dma_semaphore, #tpu.memory_space<semaphore_mem>>
      %dma_wait3A_150 = arith.constant 0 : i32
      %dma_wait3A_151 = arith.constant 0 : i32
      %dma_wait3A_152 = arith.constant 0 : i32
      %dma_wait3A_153 = arith.constant 0 : i32
      %dma_wait3A_154 = tpu.memref_slice %arg3[%sub3A_145, %dma_wait3A_150, %dma_wait3A_151, %dma_wait3A_152, %dma_wait3A_153] : memref<32x6x3x224x224xf32, #tpu.memory_space<any>> -> memref<1x2x3x224x224xf32, #tpu.memory_space<any>>
      %dma_wait3A_155 = tpu.memref_squeeze %dma_wait3A_154 : memref<1x2x3x224x224xf32, #tpu.memory_space<any>> -> memref<2x3x224x224xf32, #tpu.memory_space<any>>
      %dma_wait3A_156 = arith.constant 0 : i32
      %dma_wait3A_157 = arith.constant 0 : i32
      %dma_wait3A_158 = arith.constant 0 : i32
      %dma_wait3A_159 = arith.constant 0 : i32
      %dma_wait3A_160 = tpu.memref_slice %arg4[%rem3A_147, %dma_wait3A_156, %dma_wait3A_157, %dma_wait3A_158, %dma_wait3A_159] : memref<3x6x3x224x224xf32, #tpu.memory_space<vmem>> -> memref<1x2x3x224x224xf32, #tpu.memory_space<vmem>>
      %dma_wait3A_161 = tpu.memref_squeeze %dma_wait3A_160 : memref<1x2x3x224x224xf32, #tpu.memory_space<vmem>> -> memref<2x3x224x224xf32, #tpu.memory_space<vmem>>
      tpu.wait_dma2 semaphore(%dma_wait3A_149 : memref<!tpu.dma_semaphore, #tpu.memory_space<semaphore_mem>>) src(%dma_wait3A_161 : memref<2x3x224x224xf32, #tpu.memory_space<vmem>>) dst(%dma_wait3A_155 : memref<2x3x224x224xf32, #tpu.memory_space<any>>)
      %dma_wait3A_162 = tpu.memref_slice %arg6[%rem3A_147] : memref<3x!tpu.dma_semaphore, #tpu.memory_space<semaphore_mem>> -> memref<1x!tpu.dma_semaphore, #tpu.memory_space<semaphore_mem>>
      %dma_wait3A_163 = tpu.memref_squeeze %dma_wait3A_162 : memref<1x!tpu.dma_semaphore, #tpu.memory_space<semaphore_mem>> -> memref<!tpu.dma_semaphore, #tpu.memory_space<semaphore_mem>>
      %dma_wait3A_164 = arith.constant 2 : i32
      %dma_wait3A_165 = arith.constant 0 : i32
      %dma_wait3A_166 = arith.constant 0 : i32
      %dma_wait3A_167 = arith.constant 0 : i32
      %dma_wait3A_168 = tpu.memref_slice %arg3[%sub3A_145, %dma_wait3A_164, %dma_wait3A_165, %dma_wait3A_166, %dma_wait3A_167] : memref<32x6x3x224x224xf32, #tpu.memory_space<any>> -> memref<1x2x3x224x224xf32, #tpu.memory_space<any>>
      %dma_wait3A_169 = tpu.memref_squeeze %dma_wait3A_168 : memref<1x2x3x224x224xf32, #tpu.memory_space<any>> -> memref<2x3x224x224xf32, #tpu.memory_space<any>>
      %dma_wait3A_170 = arith.constant 2 : i32
      %dma_wait3A_171 = arith.constant 0 : i32
      %dma_wait3A_172 = arith.constant 0 : i32
      %dma_wait3A_173 = arith.constant 0 : i32
      %dma_wait3A_174 = tpu.memref_slice %arg4[%rem3A_147, %dma_wait3A_170, %dma_wait3A_171, %dma_wait3A_172, %dma_wait3A_173] : memref<3x6x3x224x224xf32, #tpu.memory_space<vmem>> -> memref<1x2x3x224x224xf32, #tpu.memory_space<vmem>>
      %dma_wait3A_175 = tpu.memref_squeeze %dma_wait3A_174 : memref<1x2x3x224x224xf32, #tpu.memory_space<vmem>> -> memref<2x3x224x224xf32, #tpu.memory_space<vmem>>
      tpu.wait_dma2 semaphore(%dma_wait3A_163 : memref<!tpu.dma_semaphore, #tpu.memory_space<semaphore_mem>>) src(%dma_wait3A_175 : memref<2x3x224x224xf32, #tpu.memory_space<vmem>>) dst(%dma_wait3A_169 : memref<2x3x224x224xf32, #tpu.memory_space<any>>)
      %dma_wait3A_176 = tpu.memref_slice %arg6[%rem3A_147] : memref<3x!tpu.dma_semaphore, #tpu.memory_space<semaphore_mem>> -> memref<1x!tpu.dma_semaphore, #tpu.memory_space<semaphore_mem>>
      %dma_wait3A_177 = tpu.memref_squeeze %dma_wait3A_176 : memref<1x!tpu.dma_semaphore, #tpu.memory_space<semaphore_mem>> -> memref<!tpu.dma_semaphore, #tpu.memory_space<semaphore_mem>>
      %dma_wait3A_178 = arith.constant 4 : i32
      %dma_wait3A_179 = arith.constant 0 : i32
      %dma_wait3A_180 = arith.constant 0 : i32
      %dma_wait3A_181 = arith.constant 0 : i32
      %dma_wait3A_182 = tpu.memref_slice %arg3[%sub3A_145, %dma_wait3A_178, %dma_wait3A_179, %dma_wait3A_180, %dma_wait3A_181] : memref<32x6x3x224x224xf32, #tpu.memory_space<any>> -> memref<1x2x3x224x224xf32, #tpu.memory_space<any>>
      %dma_wait3A_183 = tpu.memref_squeeze %dma_wait3A_182 : memref<1x2x3x224x224xf32, #tpu.memory_space<any>> -> memref<2x3x224x224xf32, #tpu.memory_space<any>>
      %dma_wait3A_184 = arith.constant 4 : i32
      %dma_wait3A_185 = arith.constant 0 : i32
      %dma_wait3A_186 = arith.constant 0 : i32
      %dma_wait3A_187 = arith.constant 0 : i32
      %dma_wait3A_188 = tpu.memref_slice %arg4[%rem3A_147, %dma_wait3A_184, %dma_wait3A_185, %dma_wait3A_186, %dma_wait3A_187] : memref<3x6x3x224x224xf32, #tpu.memory_space<vmem>> -> memref<1x2x3x224x224xf32, #tpu.memory_space<vmem>>
      %dma_wait3A_189 = tpu.memref_squeeze %dma_wait3A_188 : memref<1x2x3x224x224xf32, #tpu.memory_space<vmem>> -> memref<2x3x224x224xf32, #tpu.memory_space<vmem>>
      tpu.wait_dma2 semaphore(%dma_wait3A_177 : memref<!tpu.dma_semaphore, #tpu.memory_space<semaphore_mem>>) src(%dma_wait3A_189 : memref<2x3x224x224xf32, #tpu.memory_space<vmem>>) dst(%dma_wait3A_183 : memref<2x3x224x224xf32, #tpu.memory_space<any>>)
      %sub3A_190 = arith.constant 1 : i32
      %sub3A_191 = arith.subi %arg0, %sub3A_190 : i32
      %rem3A_192 = arith.constant 3 : i32
      %rem3A_193 = arith.remsi %sub3A_191, %rem3A_192 : i32
      %dma_wait3A_194 = tpu.memref_slice %arg6[%rem3A_193] : memref<3x!tpu.dma_semaphore, #tpu.memory_space<semaphore_mem>> -> memref<1x!tpu.dma_semaphore, #tpu.memory_space<semaphore_mem>>
      %dma_wait3A_195 = tpu.memref_squeeze %dma_wait3A_194 : memref<1x!tpu.dma_semaphore, #tpu.memory_space<semaphore_mem>> -> memref<!tpu.dma_semaphore, #tpu.memory_space<semaphore_mem>>
      %dma_wait3A_196 = arith.constant 0 : i32
      %dma_wait3A_197 = arith.constant 0 : i32
      %dma_wait3A_198 = arith.constant 0 : i32
      %dma_wait3A_199 = arith.constant 0 : i32
      %dma_wait3A_200 = tpu.memref_slice %arg3[%sub3A_191, %dma_wait3A_196, %dma_wait3A_197, %dma_wait3A_198, %dma_wait3A_199] : memref<32x6x3x224x224xf32, #tpu.memory_space<any>> -> memref<1x2x3x224x224xf32, #tpu.memory_space<any>>
      %dma_wait3A_201 = tpu.memref_squeeze %dma_wait3A_200 : memref<1x2x3x224x224xf32, #tpu.memory_space<any>> -> memref<2x3x224x224xf32, #tpu.memory_space<any>>
      %dma_wait3A_202 = arith.constant 0 : i32
      %dma_wait3A_203 = arith.constant 0 : i32
      %dma_wait3A_204 = arith.constant 0 : i32
      %dma_wait3A_205 = arith.constant 0 : i32
      %dma_wait3A_206 = tpu.memref_slice %arg4[%rem3A_193, %dma_wait3A_202, %dma_wait3A_203, %dma_wait3A_204, %dma_wait3A_205] : memref<3x6x3x224x224xf32, #tpu.memory_space<vmem>> -> memref<1x2x3x224x224xf32, #tpu.memory_space<vmem>>
      %dma_wait3A_207 = tpu.memref_squeeze %dma_wait3A_206 : memref<1x2x3x224x224xf32, #tpu.memory_space<vmem>> -> memref<2x3x224x224xf32, #tpu.memory_space<vmem>>
      tpu.wait_dma2 semaphore(%dma_wait3A_195 : memref<!tpu.dma_semaphore, #tpu.memory_space<semaphore_mem>>) src(%dma_wait3A_207 : memref<2x3x224x224xf32, #tpu.memory_space<vmem>>) dst(%dma_wait3A_201 : memref<2x3x224x224xf32, #tpu.memory_space<any>>)
      %dma_wait3A_208 = tpu.memref_slice %arg6[%rem3A_193] : memref<3x!tpu.dma_semaphore, #tpu.memory_space<semaphore_mem>> -> memref<1x!tpu.dma_semaphore, #tpu.memory_space<semaphore_mem>>
      %dma_wait3A_209 = tpu.memref_squeeze %dma_wait3A_208 : memref<1x!tpu.dma_semaphore, #tpu.memory_space<semaphore_mem>> -> memref<!tpu.dma_semaphore, #tpu.memory_space<semaphore_mem>>
      %dma_wait3A_210 = arith.constant 2 : i32
      %dma_wait3A_211 = arith.constant 0 : i32
      %dma_wait3A_212 = arith.constant 0 : i32
      %dma_wait3A_213 = arith.constant 0 : i32
      %dma_wait3A_214 = tpu.memref_slice %arg3[%sub3A_191, %dma_wait3A_210, %dma_wait3A_211, %dma_wait3A_212, %dma_wait3A_213] : memref<32x6x3x224x224xf32, #tpu.memory_space<any>> -> memref<1x2x3x224x224xf32, #tpu.memory_space<any>>
      %dma_wait3A_215 = tpu.memref_squeeze %dma_wait3A_214 : memref<1x2x3x224x224xf32, #tpu.memory_space<any>> -> memref<2x3x224x224xf32, #tpu.memory_space<any>>
      %dma_wait3A_216 = arith.constant 2 : i32
      %dma_wait3A_217 = arith.constant 0 : i32
      %dma_wait3A_218 = arith.constant 0 : i32
      %dma_wait3A_219 = arith.constant 0 : i32
      %dma_wait3A_220 = tpu.memref_slice %arg4[%rem3A_193, %dma_wait3A_216, %dma_wait3A_217, %dma_wait3A_218, %dma_wait3A_219] : memref<3x6x3x224x224xf32, #tpu.memory_space<vmem>> -> memref<1x2x3x224x224xf32, #tpu.memory_space<vmem>>
      %dma_wait3A_221 = tpu.memref_squeeze %dma_wait3A_220 : memref<1x2x3x224x224xf32, #tpu.memory_space<vmem>> -> memref<2x3x224x224xf32, #tpu.memory_space<vmem>>
      tpu.wait_dma2 semaphore(%dma_wait3A_209 : memref<!tpu.dma_semaphore, #tpu.memory_space<semaphore_mem>>) src(%dma_wait3A_221 : memref<2x3x224x224xf32, #tpu.memory_space<vmem>>) dst(%dma_wait3A_215 : memref<2x3x224x224xf32, #tpu.memory_space<any>>)
      %dma_wait3A_222 = tpu.memref_slice %arg6[%rem3A_193] : memref<3x!tpu.dma_semaphore, #tpu.memory_space<semaphore_mem>> -> memref<1x!tpu.dma_semaphore, #tpu.memory_space<semaphore_mem>>
      %dma_wait3A_223 = tpu.memref_squeeze %dma_wait3A_222 : memref<1x!tpu.dma_semaphore, #tpu.memory_space<semaphore_mem>> -> memref<!tpu.dma_semaphore, #tpu.memory_space<semaphore_mem>>
      %dma_wait3A_224 = arith.constant 4 : i32
      %dma_wait3A_225 = arith.constant 0 : i32
      %dma_wait3A_226 = arith.constant 0 : i32
      %dma_wait3A_227 = arith.constant 0 : i32
      %dma_wait3A_228 = tpu.memref_slice %arg3[%sub3A_191, %dma_wait3A_224, %dma_wait3A_225, %dma_wait3A_226, %dma_wait3A_227] : memref<32x6x3x224x224xf32, #tpu.memory_space<any>> -> memref<1x2x3x224x224xf32, #tpu.memory_space<any>>
      %dma_wait3A_229 = tpu.memref_squeeze %dma_wait3A_228 : memref<1x2x3x224x224xf32, #tpu.memory_space<any>> -> memref<2x3x224x224xf32, #tpu.memory_space<any>>
      %dma_wait3A_230 = arith.constant 4 : i32
      %dma_wait3A_231 = arith.constant 0 : i32
      %dma_wait3A_232 = arith.constant 0 : i32
      %dma_wait3A_233 = arith.constant 0 : i32
      %dma_wait3A_234 = tpu.memref_slice %arg4[%rem3A_193, %dma_wait3A_230, %dma_wait3A_231, %dma_wait3A_232, %dma_wait3A_233] : memref<3x6x3x224x224xf32, #tpu.memory_space<vmem>> -> memref<1x2x3x224x224xf32, #tpu.memory_space<vmem>>
      %dma_wait3A_235 = tpu.memref_squeeze %dma_wait3A_234 : memref<1x2x3x224x224xf32, #tpu.memory_space<vmem>> -> memref<2x3x224x224xf32, #tpu.memory_space<vmem>>
      tpu.wait_dma2 semaphore(%dma_wait3A_223 : memref<!tpu.dma_semaphore, #tpu.memory_space<semaphore_mem>>) src(%dma_wait3A_235 : memref<2x3x224x224xf32, #tpu.memory_space<vmem>>) dst(%dma_wait3A_229 : memref<2x3x224x224xf32, #tpu.memory_space<any>>)
    } else {
    }
    return
  }
  func.func @transform_0(%arg0: i32) -> (i32, i32) {
    %c0_i32 = arith.constant 0 : i32
    %c0_i32_0 = arith.constant 0 : i32
    %c0_i32_1 = arith.constant 0 : i32
    return %c0_i32, %c0_i32_0 : i32, i32
  }
}

</mosaic_0001>

<sc_bundles>
// kernel: kernel.7.cloned.1.call-start
scs
__scs_entry_jumppad:
0x0: {  	(pc) =	sbr.rel $0x88, $3  }
0x1: {  	(tag) =	ssettag $0x0;
	lr =	simm.s32 $0x1  }
0x2: {  	[smem:$0x3F9F] =	sst lr;
	_ =	strace $0xD0000000  }
0x3: {  	_ = 	snop  }
0x4: {  	_ = 	snop  }
0x5: {  	_ = 	snop  }
0x6: {  	_ = 	snop  }
0x7: {  	_ = 	snop  }
__scs_overlays_trampoline_lowered:
0x8: {  	[smem:$0x3FAE] =	sst s0  }
0x9: {  	[smem:$0x3FAF] =	sst s1  }
0xa: {  	[smem:$0x3FB0] =	sst s2  }
0xb: {  	[smem:$0x3FB1] =	sst s3  }
0xc: {  	[smem:$0x3FB2] =	sst s4  }
0xd: {  	[smem:$0x3FB3] =	sst s5  }
0xe: {  	[smem:$0x3FB4] =	sst s6  }
0xf: {  	[smem:$0x3FB5] =	sst s7  }
0x10: {  	[smem:$0x3FB6] =	sst s8  }
0x11: {  	[smem:$0x3FB7] =	sst s9;
	s0 =	simm.s32 @!p0 $0x0  }
0x12: {  	s1 =	sld [smem:$0x3F9D];
	s0 =	simm.s32 @p0 $0x1  }
0x13: {  	[smem:$0x3FB8] =	sst s0;
	s0 =	simm.s32 @!p1 $0x0  }
0x14: {  	s2 =	sld [smem:$0x3F9C];
	s0 =	simm.s32 @p1 $0x1  }
0x15: {  	[smem:$0x3FB9] =	sst s0;
	s0 =	simm.s32 @!p2 $0x0  }
0x16: {  	s3 =	sld [smem:$0x3FDB];
	s0 =	simm.s32 @p2 $0x1  }
0x17: {  	s4 =	simm.s32 $0x1BF5;
	[smem:$0x3FBB] =	sst s0  }
0x18: {  	s0 =	sld [smem:$0x3F9E];
	_ =	swait.ge [sflag:s4], $0x0  }
0x19: {  	s7 =	sld [smem:$0x3F9F]  }
0x1a: {  	s8 =	sadd.s32 $0xFFFFE003, lr  }
0x1b: {  	s9 =	sadd.s32 $0xFFFFFEF7, lr;
	s5 =	simm.s32 $0xFFFFFFFF;
	p2 =	slt.u32 s8, $0xFFFFF086  }
0x1c: {  	p1 =	slt.u32 s9, $0xF7A;
	s5 =	simm.s32 @!p2 $0x0  }
0x1d: {  	s5 =	simm.s32 @p1 $0x1;
	p0 =	seq.s32 s7, s2  }
0x1e: {  	s7 =	smul.u32 @!p0 $0xF7A, s2;
	p2 =	seq.s32 @!p0 s5, $0x0  }
0x1f: {  	s9 =	smul.u32 $0xF7A, s1;
	s8 =	simm.s32 @!p0 $0x1BF5;
	p2 =	por !p2, p0  }
0x20: {  	[sflag:s8] =	ssyncset.s32 @!p0 $0xFFFFF086;
	s6 =	sadd.s32 @!p0 s3, s7;
	s7 =	simm.s32 @!p0 $0x108  }
0x21: {  	s3 =	sadd.s32 s3, s9;
	s6 =	sadd.s32 @!p0 $0x88, s6;
	s7 =	simm.s32 @p2 $0x1082  }
0x22: {  	[simem:s7], [sflag:s8] =	dma.local @!p0 [hbm:s6], $0xF7A  }
0x23: {  	s9 =	sor.u32 $0xD0000000, s2;
	s6 =	simm.s32 $0x108;
	_ =	swait.ge @!p0 [sflag:s8], $0x0  }
0x24: {  	s3 =	sadd.s32 $0x88, s3;
	s6 =	simm.s32 @!p1 $0x1082;
	[sflag:s4] =	ssyncset.s32 $0xFFFFF086  }
0x25: {  	[simem:s6], [sflag:s4] =	dma.local [hbm:s3], $0xF7A  }
0x26: {  	[smem:$0x3F9F] =	sst s1;
	(tag) =	ssettag s2;
	_ =	strace s9  }
0x27: {  	s1 =	sld [smem:$0x3FAF]  }
0x28: {  	s2 =	sld [smem:$0x3FB0]  }
0x29: {  	s4 =	sld [smem:$0x3FB2]  }
0x2a: {  	p0 =	seq.s32 s5, $0x0;
	s5 =	sld [smem:$0x3FB3]  }
0x2b: {  	s6 =	sld [smem:$0x3FB4]  }
0x2c: {  	s7 =	sld [smem:$0x3FB5]  }
0x2d: {  	s3 =	simm.s32 $0x108;
	s8 =	sld [smem:$0x3FB6]  }
0x2e: {  	s3 =	simm.s32 @!p0 $0x1082;
	s9 =	sld [smem:$0x3FB7]  }
0x2f: {  	lr =	sadd.s32 s0, s3;
	s0 =	sld [smem:$0x3FAE]  }
0x30: {  	s3 =	sld [smem:$0x3FB1]  }
0x31: {  	[smem:$0x3FBA] =	sst s10  }
0x32: {  	s10 =	sld [smem:$0x3FB8];
	_ =	sdelay $0x3  }
0x33: {  	p0 =	seq.s32 s10, $0x1;
	s10 =	sld [smem:$0x3FBA];
	_ =	sdelay $0x3  }
0x34: {  	[smem:$0x3FBA] =	sst s10  }
0x35: {  	s10 =	sld [smem:$0x3FB9];
	_ =	sdelay $0x3  }
0x36: {  	p1 =	seq.s32 s10, $0x1;
	s10 =	sld [smem:$0x3FBA];
	_ =	sdelay $0x3  }
0x37: {  	[smem:$0x3FBA] =	sst s10  }
0x38: {  	s10 =	sld [smem:$0x3FBB]  }
0x39: {  	_ = 	snop;
	(pc) =	sbr.ind lr, $3  }
0x3a: {  	_ = 	snop  }
0x3b: {  	_ = 	snop  }
0x3c: {  	p2 =	seq.s32 s10, $0x1;
	s10 =	sld [smem:$0x3FBA]  }
0x3d: {  	_ =	shalt  }
0x3e: {  	_ =	shalt  }
0x3f: {  	_ =	shalt  }
0x40: {  	_ =	shalt  }
0x41: {  	_ =	shalt  }
0x42: {  	_ =	shalt  }
0x43: {  	_ =	shalt  }
0x44: {  	_ =	shalt  }
0x45: {  	_ =	shalt  }
0x46: {  	_ =	shalt  }
0x47: {  	_ =	shalt  }
0x48: {  	_ =	shalt  }
0x49: {  	_ =	shalt  }
0x4a: {  	_ =	shalt  }
0x4b: {  	_ =	shalt  }
0x4c: {  	_ =	shalt  }
0x4d: {  	_ =	shalt  }
0x4e: {  	_ =	shalt  }
0x4f: {  	_ =	shalt  }
0x50: {  	_ =	shalt  }
0x51: {  	_ =	shalt  }
0x52: {  	_ =	shalt  }
0x53: {  	_ =	shalt  }
0x54: {  	_ =	shalt  }
0x55: {  	_ =	shalt  }
0x56: {  	_ =	shalt  }
0x57: {  	_ =	shalt  }
0x58: {  	_ =	shalt  }
0x59: {  	_ =	shalt  }
0x5a: {  	_ =	shalt  }
0x5b: {  	_ =	shalt  }
0x5c: {  	_ =	shalt  }
0x5d: {  	_ =	shalt  }
0x5e: {  	_ =	shalt  }
0x5f: {  	_ =	shalt  }
0x60: {  	_ =	shalt  }
0x61: {  	_ =	shalt  }
0x62: {  	_ =	shalt  }
0x63: {  	_ =	shalt  }
0x64: {  	_ =	shalt  }
0x65: {  	_ =	shalt  }
0x66: {  	_ =	shalt  }
0x67: {  	_ =	shalt  }
0x68: {  	_ =	shalt  }
0x69: {  	_ =	shalt  }
0x6a: {  	_ =	shalt  }
0x6b: {  	_ =	shalt  }
0x6c: {  	_ =	shalt  }
0x6d: {  	_ =	shalt  }
0x6e: {  	_ =	shalt  }
0x6f: {  	_ =	shalt  }
0x70: {  	_ =	shalt  }
0x71: {  	_ =	shalt  }
0x72: {  	_ =	shalt  }
0x73: {  	_ =	shalt  }
0x74: {  	_ =	shalt  }
0x75: {  	_ =	shalt  }
0x76: {  	_ =	shalt  }
0x77: {  	_ =	shalt  }
0x78: {  	_ =	shalt  }
0x79: {  	_ =	shalt  }
0x7a: {  	_ =	shalt  }
0x7b: {  	_ =	shalt  }
0x7c: {  	_ =	shalt  }
0x7d: {  	_ =	shalt  }
0x7e: {  	_ =	shalt  }
0x7f: {  	_ =	shalt  }
0x80: {  	_ =	shalt  }
0x81: {  	_ =	shalt  }
0x82: {  	_ =	shalt  }
0x83: {  	_ =	shalt  }
0x84: {  	_ =	shalt  }
0x85: {  	_ =	shalt  }
0x86: {  	_ =	shalt  }
0x87: {  	_ =	shalt  }
.Lfunc_end0:
.L_simem_size_0:
called_computation_lowered:
.L_overlay_start_0:
0x88: {  	s2 =	sld [smem:$0x3FD9]  }
0x89: {  	s3 =	sld [smem:$0x3FFE];
	_ =	sdelay $0x1  }
0x8a: {  	s1 =	srdreg.scid  }
0x8b: {  	s0 =	sand.u32 $0x1, s1  }
0x8c: {  	s14 =	sshll.u32 s0, $0xA;
	s2 =	sadd.s32 s3, s2  }
0x8d: {  	s2 =	sadd.s32 s2, s14  }
0x8e: {  	[smem:$0x3FC6] =	sst s2  }
0x8f: {  	_ = 	snop  }
0x90: {  	s2 =	sld [smem:$0x3FD0];
	_ =	sdelay $0x2  }
0x91: {  	s15 =	simm.s32 $0xA;
	s4 =	simm.s32 $0x10  }
0x92: {  	[smem:s4], [sflag:s15] =	dma.local [hbm:s2], $0x1  }
0x93: {  	_ =	swait.eq [sflag:s15], $0x1  }
0x94: {  	[sflag:s15] =	ssyncset.done $0x0  }
0x95: {  	s16 =	sld [smem:$0x11];
	[sflag:s15] =	ssyncadd.s32 $0xFFFFFFFF  }
0x96: {  	s17 =	sld [smem:$0x12];
	(tm) =	ssettm $0x1  }
0x97: {  	s18 =	sld [smem:$0x3FFB];
	_ =	sdelay $0x3  }
0x98: {  	_ =	strace s18  }
0x99: {  	s4 =	sld [smem:$0x3FFC];
	_ =	sdelay $0x3  }
0x9a: {  	_ =	strace s4  }
0x9b: {  	s4 =	sld [smem:$0x3FFD];
	_ =	sdelay $0x3  }
0x9c: {  	_ =	strace s4  }
0x9d: {  	_ =	strace $0x8FFFFFFF  }
0x9e: {  	s19 =	sld [smem:$0x3FDB];
	_ =	sdelay $0x1  }
0x9f: {  	s5 =	simm.s32 $_scs_section_size  }
0xa0: {  	s6 =	simm.s32 $_size__tile_overlayer_lowered;
	s7 =	simm.s32 $_tile_overlayer_lowered  }
0xa1: {  	s22 =	simm.s32 $0x1BFF;
	s21 =	sshll.u32 s7, $0x1;
	s4 =	sadd.s32 s5, s19  }
0xa2: {  	s8 =	simm.s32 $0x0;
	s20 =	sshll.u32 s6, $0x1;
	s6 =	sadd.s32 s21, s4  }
0xa3: {  	[timem:s8], [sflag:s22] =	dma.local [hbm:s6], s20  }
0xa4: {  	_ =	swait.ge [sflag:s22], s20  }
0xa5: {  	s5 =	ssub.s32 $0x0, s20;
	[sflag:s22] =	ssyncset.done $0x0  }
0xa6: {  	[sflag:s22] =	ssyncadd.s32 s5;
	_ =	sdelay $0x1  }
0xa7: {  	s23 =	simm.s32 $0x1B8B  }
0xa8: {  	_ =	swait.ge [sflag:s23], $0x1  }
0xa9: {  	[sflag:s23] =	ssyncset.done $0x0  }
0xaa: {  	s25 =	simm.s32 $0x1B8E;
	s24 =	sld [smem:$0x3FFE];
	[sflag:s23] =	ssyncadd.s32 $0xFFFFFFFF  }
0xab: {  	s26 =	simm.s32 $execute0_lowered;
	[smem:$0x3FD2] =	sst s25  }
0xac: {  	s6 =	sshll.u32 s26, $0x1;
	_ =	strace $0x80000046;
	[dreg:$0x1] =	wrdreg $0xFFFFFFFF  }
0xad: {  	s28 =	simm.s32 $_size_execute0_lowered;
	s4 =	sadd.s32 s4, s6;
	[dreg:$0x0] =	wrdreg $0x0  }
0xae: {  	s6 =	sshll.u32 s28, $0x1;
	[dreg:$0x2] =	wrdreg s4  }
0xaf: {  	[dreg:$0x3] =	wrdreg s6  }
0xb0: {  	[dreg:$0x4] =	wrdreg $0xC0  }
0xb1: {  	_ =	task [dreg:s8], $0x5FFFF  }
0xb2: {  	[dreg:$0x1] =	wrdreg $0xFFFFFFFF  }
0xb3: {  	[dreg:$0x0] =	wrdreg $0x60  }
0xb4: {  	[dreg:$0x2] =	wrdreg s24  }
0xb5: {  	[dreg:$0x3] =	wrdreg s16  }
0xb6: {  	[dreg:$0x4] =	wrdreg s17  }
0xb7: {  	[dreg:$0x5] =	wrdreg $0x9  }
0xb8: {  	_ =	task.clear_ibuf [dreg:s8], $0x6FFFF;
	_ =	strace $0x90000046  }
0xb9: {  	s29 =	simm.s32 $0x9;
	_ =	strace $0x80000048  }
0xba: {  	_ =	swait.ge [sflag:s29], $0x1  }
0xbb: {  	[sflag:s29] =	ssyncadd.s32 $0xFFFFFFFF  }
0xbc: {  	_ =	strace $0x90000048  }
0xbd: {  	_ =	sfence  }
0xbe: {  	s30 =	sld [smem:$0x0];
	_ =	sdelay $0x2  }
0xbf: {  	s31 =	sshll.u32 s1, $0xD;
	s1 =	sshrl.u32 s1, $0x2  }
0xc0: {  	s3 =	sand.u32 $0x4000, s31;
	s1 =	sadd.s32 s1, s30  }
0xc1: {  	s0 =	sor.u32 s3, s0;
	s1 =	sshll.u32 s1, $0x11  }
0xc2: {  	s0 =	sor.u32 s1, s0  }
0xc3: {  	s0 =	sadd.s32 $0x8F2B, s0  }
0xc4: {  	[sflag:s0] =	ssyncadd.remote.s32 $0x1  }
0xc5: {  	_ =	sfence.sel $0xFFFF  }
0xc6: {  	[dreg:$0x0] =	wrdreg $0xFFFFFFFF;
	(pc) =	sbr.abs _section_cstart, $3  }
0xc7: {  	[dreg:$0x1] =	wrdreg $0xFFFFFFFF  }
0xc8: {  	_ =	task.clear_ibuf [dreg:s8], $0x2FFFF;
	_ =	strace $0x9FFFFFFF  }
0xc9: {  	(tm) =	ssettm $0x7FFFFFFF  }
tec
execute0_lowered:
.L_overlay_start_1:
0x0: {  	(tag) =	ssettag $0x1  }
0x1: {  	s1 =	rddreg [dreg:$0x0]  }
0x2: {  	s6 =	rddreg [dreg:$0x1];
	s2 =	srdreg.scid  }
0x3: {  	s0 =	stileid.u32;
	s3 =	rddreg [dreg:$0x2];
	s14 =	simm.s32 $0x2  }
0x4: {  	s16 =	simm.s32 $0xF000;
	s17 =	simm.s32 $0x1000;
	s18 =	simm.s32 $0x1  }
0x5: {  	s19 =	simm.s32 $0x0;
	s5 =	sand.u32 $0x1, s2;
	s4 =	sshll.u32 s0, $0x1  }
0x6: {  	s2 =	rddreg [dreg:$0x3];
	s7 =	sor.u32 s5, s4;
	s4 =	simm.s32 $0x0  }
0x7: {  	s8 =	ssub.s32 $0x2, s5;
	s5 =	smul.u32 $0x54000, s7;
	[smem:$0x7FF] =	sst s4  }
0x8: {  	s9 =	sshrl.u32 s8, $0x1;
	s10 =	smul.u32 $0x1C00, s7;
	s15 =	sshll.u32 s7, $0x9  }
0x9: {  	_ =	strace $0x80000047;
	s13 =	ssub.s32 s8, s9;
	s31 =	sshrl.u32 s5, $0x3  }
0xa: {  	s15 =	sshrl.u32 s15, $0x2;
	s6 =	sadd.s32 s6, s10;
	s7 =	sadd.s32 s3, s31  }
0xb: {  	s13 =	smax.u32 s13, $0x1;
	s8 =	sadd.s32 $0x1C00, s7;
	s9 =	sadd.s32 $0x3800, s7  }
0xc: {  	v0 =	vimm.f32 $1.000000000e+00;
	s10 =	sadd.s32 $0x5400, s7;
	s11 =	sadd.s32 $0x7000, s7;
	s12 =	sadd.s32 $0x8C00, s7  }
.LBB2_1:
0xd: {  	[tilespmem:s4], [sflag:$0x2] =	stream.linear.gather [hbm4b:s1+s4], $0x1000, $0x38;
	[tilespmem:$0x1D000] =	vst v63  }
0xe: {  	_ =	swait.ge [sflag:s14], $0x1000  }
0xf: {  	s20 =	sand.u32 $0xF800, s4;
	s21 =	sand.u32 $0x380, s4;
	[sflag:s14] =	ssyncset.done $0x0  }
0x10: {  	s20 =	sor.u32 s21, s20;
	[sflag:s14] =	ssyncadd.s32 $0xFFFFF000  }
0x11: {  	v1 =	vld [tilespmem:s15+$0x0];
	[tilespmem:s20+$0x1450] =	vst v0  }
0x12: {  	[tilespmem:s20+$0x1000] =	vst v0  }
0x13: {  	[tilespmem:s20+$0x1010] =	vst v0  }
0x14: {  	[tilespmem:s20+$0x1020] =	vst v0  }
0x15: {  	[tilespmem:s20+$0x1030] =	vst v0  }
0x16: {  	[tilespmem:s20+$0x1040] =	vst v0  }
0x17: {  	[tilespmem:s20+$0x1050] =	vst v0  }
0x18: {  	[tilespmem:s20+$0x1060] =	vst v0  }
0x19: {  	[tilespmem:s20+$0x1070] =	vst v0  }
0x1a: {  	[tilespmem:s20+$0x1400] =	vst v0  }
0x1b: {  	[tilespmem:s20+$0x1410] =	vst v0  }
0x1c: {  	s22 =	simm.s32 $0x100;
	s21 =	simm.s32 $0x80;
	[tilespmem:s20+$0x1420] =	vst v0  }
0x1d: {  	s23 =	sand.u32 $0xF800, s22;
	s22 =	simm.s32 $0x200;
	s24 =	sand.u32 $0x380, s21;
	[tilespmem:s20+$0x1430] =	vst v0  }
.LBB2_2:
0x1e: {  	p0 =	sne.s32 s22, $0xDF00;
	[tilespmem:s20+$0x1440] =	vst v0;
	s20 =	sor.u32 s24, s23  }
0x1f: {  	[tilespmem:s20+$0x1450] =	vst v0  }
0x20: {  	[tilespmem:s20+$0x1000] =	vst v0  }
0x21: {  	[tilespmem:s20+$0x1010] =	vst v0  }
0x22: {  	[tilespmem:s20+$0x1020] =	vst v0  }
0x23: {  	[tilespmem:s20+$0x1030] =	vst v0  }
0x24: {  	[tilespmem:s20+$0x1040] =	vst v0  }
0x25: {  	[tilespmem:s20+$0x1050] =	vst v0  }
0x26: {  	[tilespmem:s20+$0x1060] =	vst v0  }
.Ltmp0:
0x27: {  	[tilespmem:s20+$0x1070] =	vst v0;
	(pc) =	sbr.rel @p0 .LBB2_2-.Ltmp0, $4  }
0x28: {  	[tilespmem:s20+$0x1400] =	vst v0  }
0x29: {  	[tilespmem:s20+$0x1410] =	vst v0  }
0x2a: {  	s21 =	sadd.s32 $0x80, s21;
	[tilespmem:s20+$0x1420] =	vst v0  }
0x2b: {  	s23 =	sand.u32 $0xF800, s22;
	s22 =	sadd.s32 $0x100, s22;
	s24 =	sand.u32 $0x380, s21;
	[tilespmem:s20+$0x1430] =	vst v0  }
0x2c: {  	s21 =	sor.u32 s24, s23;
	[tilespmem:s20+$0x1440] =	vst v0  }
0x2d: {  	(v2sf) =	vpush v1, $0x0;
	[tilespmem:s21+$0x1450] =	vst v0  }
0x2e: {  	[tilespmem:s21+$0x1000] =	vst v0  }
0x2f: {  	[tilespmem:s21+$0x1010] =	vst v0  }
0x30: {  	[tilespmem:s21+$0x1020] =	vst v0  }
0x31: {  	[tilespmem:s21+$0x1030] =	vst v0  }
0x32: {  	[tilespmem:s21+$0x1040] =	vst v0  }
0x33: {  	[tilespmem:s21+$0x1050] =	vst v0  }
0x34: {  	[tilespmem:s21+$0x1060] =	vst v0  }
0x35: {  	[tilespmem:s21+$0x1070] =	vst v0  }
0x36: {  	[tilespmem:s21+$0x1400] =	vst v0  }
0x37: {  	[tilespmem:s21+$0x1410] =	vst v0  }
0x38: {  	[tilespmem:s21+$0x1420] =	vst v0  }
0x39: {  	[tilespmem:s21+$0x1430] =	vst v0  }
0x3a: {  	[tilespmem:s21+$0x1440] =	vst v0  }
0x3b: {  	[tilespmem:s16], [sflag:$0x2] =	stream.linear.gather [hbm4b:s6+s4], $0xE000, $0x38;
	[tilespmem:$0x1D000] =	vst v63  }
0x3c: {  	s31 =	spop (v2sf)  }
0x3d: {  	_ =	swait.ge [sflag:s14], $0xE000  }
0x3e: {  	[sflag:s14] =	ssyncset.done $0x0  }
0x3f: {  	[sflag:s14] =	ssyncadd.s32 $0xFFFF2000  }
0x40: {  	[hbm4b:s7+s4] =	stream.linear.scatter [tilespmem:s17], [sflag:$0x1], $0xE000, $0x38;
	[tilespmem:$0x1D000] =	vst v63  }
0x41: {  	_ = 	snop  }
0x42: {  	[hbm4b:s8+s4] =	stream.linear.scatter [tilespmem:s17], [sflag:$0x1], $0xE000, $0x38;
	[tilespmem:$0x1D000] =	vst v63  }
0x43: {  	_ = 	snop  }
0x44: {  	[hbm4b:s9+s4] =	stream.linear.scatter [tilespmem:s17], [sflag:$0x1], $0xE000, $0x38;
	[tilespmem:$0x1D000] =	vst v63  }
0x45: {  	_ = 	snop  }
0x46: {  	[hbm4b:s10+s4] =	stream.linear.scatter [tilespmem:s17], [sflag:$0x1], $0xE000, $0x38;
	[tilespmem:$0x1D000] =	vst v63  }
0x47: {  	_ = 	snop  }
0x48: {  	[hbm4b:s11+s4] =	stream.linear.scatter [tilespmem:s17], [sflag:$0x1], $0xE000, $0x38;
	[tilespmem:$0x1D000] =	vst v63  }
0x49: {  	_ = 	snop  }
0x4a: {  	[hbm4b:s12+s4] =	stream.linear.scatter [tilespmem:s17], [sflag:$0x1], $0xE000, $0x38;
	[tilespmem:$0x1D000] =	vst v63  }
0x4b: {  	_ =	swait.ge [sflag:s18], $0xE000  }
0x4c: {  	[sflag:s18] =	ssyncset.done $0x0  }
0x4d: {  	[sflag:s18] =	ssyncadd.s32 $0xFFFF2000  }
0x4e: {  	_ =	swait.ge [sflag:s18], $0xE000  }
0x4f: {  	[sflag:s18] =	ssyncset.done $0x0  }
0x50: {  	[sflag:s18] =	ssyncadd.s32 $0xFFFF2000  }
0x51: {  	_ =	swait.ge [sflag:s18], $0xE000  }
0x52: {  	[sflag:s18] =	ssyncset.done $0x0  }
0x53: {  	[sflag:s18] =	ssyncadd.s32 $0xFFFF2000  }
0x54: {  	_ =	swait.ge [sflag:s18], $0xE000  }
0x55: {  	[sflag:s18] =	ssyncset.done $0x0  }
0x56: {  	[sflag:s18] =	ssyncadd.s32 $0xFFFF2000  }
0x57: {  	_ =	swait.ge [sflag:s18], $0xE000  }
0x58: {  	s20 =	smul.u32 $0xE000, s31;
	[sflag:s18] =	ssyncset.done $0x0  }
0x59: {  	[sflag:s18] =	ssyncadd.s32 $0xFFFF2000  }
0x5a: {  	s19 =	sadd.s32 $0x1, s19;
	s20 =	sadd.s32 s5, s20;
	_ =	swait.ge [sflag:s18], $0xE000  }
0x5b: {  	p0 =	sne.s32 s19, s13;
	s20 =	sshrl.u32 s20, $0x3;
	[sflag:s18] =	ssyncset.done $0x0  }
.Ltmp1:
0x5c: {  	s20 =	sadd.s32 s3, s20;
	[sflag:s18] =	ssyncadd.s32 $0xFFFF2000;
	(pc) =	sbr.rel @p0 .LBB2_1-.Ltmp1, $4  }
0x5d: {  	[hbm4b:s20+s4] =	stream.linear.scatter [tilespmem:s16], [sflag:$0x1], $0xE000, $0x38;
	[tilespmem:$0x1D000] =	vst v63  }
0x5e: {  	_ =	swait.ge [sflag:s18], $0xE000  }
0x5f: {  	[sflag:s18] =	ssyncset.done $0x0  }
0x60: {  	[sflag:s18] =	ssyncadd.s32 $0xFFFF2000  }
0x61: {  	_ =	sfence.sel $0x180000  }
0x62: {  	[bflag:$0x0] =	sbarrier.arrive $0xFFFF  }
0x63: {  	p0 =	sne.s32 s0, $0x0;
	_ =	strace $0x90000047  }
0x64: {  	s0 =	sadd.s32 @!p0 $0x100000, s2;
	[bflag:$0x2] =	sbarrier.arrive $0xFFFF  }
0x65: {  	[sflag:s0] =	ssyncadd.tile.s32 @!p0 $0x1;
	_ =	shalt  }
.Lfunc_end2:
_tile_overlayer_lowered:
.L_overlay_start_2:
0x66: {  	(tag) =	ssettag $0x2  }
0x67: {  	s0 =	rddreg [dreg:$0x0];
	s2 =	stileid.u32  }
0x68: {  	s1 =	rddreg [dreg:$0x1];
	p0 =	sne.s32 s2, $0x0  }
0x69: {  	s3 =	rddreg [dreg:$0x2];
	[bflag:$0x3] =	sbarrier.arrive $0xFFFF;
	s2 =	simm.s32 @!p0 $0x1C02  }
0x6a: {  	[timem:s3], [sflag:s2] =	dma.local @!p0 [hbm:s0], s1  }
0x6b: {  	s0 =	simm.s32 @!p0 $0x2  }
0x6c: {  	_ =	swait.ge @!p0 [sflag:s0], s1  }
0x6d: {  	s1 =	ssub.s32 @!p0 $0x0, s1;
	[sflag:s0] =	ssyncset.done @!p0 $0x0  }
0x6e: {  	[sflag:s0] =	ssyncadd.s32 @!p0 s1  }
0x6f: {  	[bflag:$0x3] =	sbarrier.arrive $0xFFFF  }
0x70: {  	_ =	shalt  }

</sc_bundles>
